<compile_context>
chip_gen: v7x
topology: tpu7x:2x2x1
jax: 0.10.2.dev20260603
libtpu: 0.0.44.dev20260713+nightly
codegen_flags: <defaults>
</compile_context>

<pallas_src>
import functools

import jax
import jax.numpy as jnp
from jax import lax
from jax.experimental import pallas as pl
from jax.experimental.pallas import tpu as pltpu
from jax.experimental.pallas import tpu_sc as plsc

DIM = 64
VOCAB1 = 1000001
BLOCK = 32768
NBLK = -(-VOCAB1 // BLOCK)
L = 16




def _lse_kernel(batch_ref, u_ref, v_ref, out_ref, acc_ref):
    i = pl.program_id(0)

    @pl.when(i == 0)
    def _init():
        acc_ref[0] = -jnp.inf
        acc_ref[1] = 0.0
        acc_ref[2] = 0.0

    u = u_ref[0:1, :]

    v = v_ref[...]
    z = lax.dot_general(
        u, v, (((1,), (0,)), ((), ())), preferred_element_type=jnp.float32
    )

    col = i * BLOCK + lax.broadcasted_iota(jnp.int32, (1, BLOCK), 1)
    z = jnp.where(col < VOCAB1, z, -jnp.inf)
    acc_ref[2] += jnp.sum(jnp.where(col == batch_ref[1], z, 0.0))

    m_old = acc_ref[0]
    bmax = jnp.maximum(m_old, jnp.max(z))
    bsum = jnp.sum(jnp.exp(z - bmax))
    acc_ref[1] = acc_ref[1] * jnp.exp(m_old - bmax) + bsum
    acc_ref[0] = bmax

    @pl.when(i == NBLK - 1)
    def _finish():
        out_ref[0, 0] = (jnp.log(acc_ref[1]) + acc_ref[0]) - acc_ref[2]




def _usel_body(r16_hbm, u8_hbm, out_hbm, r_v, u_v, o_v):
    cid = lax.axis_index("c")
    sid = lax.axis_index("s")

    @pl.when(jnp.logical_and(cid == 0, sid == 0))
    def _only_tile0():
        pltpu.sync_copy(r16_hbm, r_v)
        pltpu.sync_copy(u8_hbm, u_v)
        rv = r_v[...] % 8
        for k in range(DIM // L):
            acc = jnp.zeros((L,), jnp.float32)
            for j in range(8):
                uj = u_v[j, pl.ds(k * L, L)]
                acc = jnp.where(rv == j, uj, acc)
            for j2 in range(8):
                o_v[j2, pl.ds(k * L, L)] = acc
        pltpu.sync_copy(o_v, out_hbm)


def _usel_sc(r16, u8):
    mesh = plsc.VectorSubcoreMesh(core_axis_name="c", subcore_axis_name="s")
    k = functools.partial(
        pl.kernel,
        mesh=mesh,
        out_type=jax.ShapeDtypeStruct((8, DIM), jnp.float32),
        scratch_types=[
            pltpu.VMEM((L,), jnp.int32),
            pltpu.VMEM((8, DIM), jnp.float32),
            pltpu.VMEM((8, DIM), jnp.float32),
        ],
    )(_usel_body)
    return k(r16, u8)


@jax.jit
def _skipgram_loss(batch, u_table, v_table):
    b = batch.astype(jnp.int32)
    base = (b[0] // 8) * 8
    u8 = lax.dynamic_slice(u_table, (base, 0), (8, DIM))
    r16 = jnp.full((L,), b[0], jnp.int32)
    urow = _usel_sc(r16, u8)
    grid_spec = pltpu.PrefetchScalarGridSpec(
        num_scalar_prefetch=1,
        grid=(NBLK,),
        in_specs=[
            pl.BlockSpec((8, DIM), lambda i, bb: (0, 0)),
            pl.BlockSpec((DIM, BLOCK), lambda i, bb: (0, i)),
        ],
        out_specs=pl.BlockSpec(memory_space=pltpu.SMEM),
        scratch_shapes=[pltpu.SMEM((4,), jnp.float32)],
    )
    out = pl.pallas_call(
        _lse_kernel,
        grid_spec=grid_spec,
        out_shape=jax.ShapeDtypeStruct((1, 1), jnp.float32),
    )(b, urow, v_table)
    return out[0, 0]


def kernel(batch, u_table, v_table):
    return _skipgram_loss(batch, u_table, v_table)

# --- scband reference (transcript-rebuilt; emitter-appended) ---
"""Pipeline reference for scband-skipgram-29240137351394 (READ-ONLY COPY).

The authoritative reference and input builder live on the scoring server;
editing this copy changes nothing except your own understanding.
"""

import jax, jax.numpy as jnp
import numpy as np

VOCAB = 1000000
DIM = 64


def setup_inputs(seed: int = 0) -> dict:
    key = jax.random.key(seed)
    k1, k2, k3 = jax.random.split(key, 3)
    # batch = [target_word_idx, context_word_idx]
    batch = jax.random.randint(k1, (2,), 0, VOCAB, dtype=jnp.int64) if jax.config.jax_enable_x64 else jax.random.randint(k1, (2,), 0, VOCAB).astype(jnp.int32)
    initrange = 0.5 / DIM
    # u_embeddings: Embedding(vocab_size + 1, embedding_dim)
    u_table = jax.random.uniform(k2, (VOCAB + 1, DIM), minval=-initrange, maxval=initrange, dtype=jnp.float32)
    # v_embeddings: Embedding(embedding_dim, vocab_size + 1) -- rows indexed by range(DIM).
    # (Torch inits this to zero; we use small uniform values to avoid a degenerate
    #  constant-loss benchmark. Same math/shapes.)
    v_table = jax.random.uniform(k3, (DIM, VOCAB + 1), minval=-initrange, maxval=initrange, dtype=jnp.float32)
    return {"batch": batch, "u_table": u_table, "v_table": v_table}


def reference(batch, u_table, v_table):
    # sgns == 0 path of Skipgram.forward:
    # x1 = [[batch[0]]] -> u_emb: [1,1,DIM]
    # x2 = [range(DIM)] -> v_emb: [1,DIM,VOCAB+1] (the full v table)
    # z = matmul(u_emb, v_emb).view(-1) -> [VOCAB+1]
    u_emb = jnp.take(u_table, batch[0], axis=0)  # gather one row: [DIM]
    v_emb = v_table                               # rows 0..DIM-1, i.e. whole table
    z = u_emb @ v_emb                             # [VOCAB+1]
    log_sm = jax.nn.log_softmax(z, axis=0)
    # F.nll_loss(log_softmax.view(1,-1), y_true) with y_true = batch[1]
    loss = -jnp.take(log_sm, batch[1])
    return loss

if __name__ == "__main__":
    import jax
    _d = setup_inputs()
    print(jax.jit(kernel)(*tuple(_d.values())))

</pallas_src>

<mosaic_0001>
#map = affine_map<(d0, d1) -> (0)>
#map1 = affine_map<(d0, d1) -> (0, 0)>
module attributes {stable_mosaic.version = 14 : i64} {
  func.func @_usel_body(%arg0: i32, %arg1: i32, %arg2: memref<16xi32, #tpu.memory_space<hbm>>, %arg3: memref<8x64xf32, #tpu.memory_space<hbm>>, %arg4: memref<8x64xf32, #tpu.memory_space<hbm>>, %arg5: memref<16xi32, #tpu.memory_space<vmem>>, %arg6: memref<8x64xf32, #tpu.memory_space<vmem>>, %arg7: memref<8x64xf32, #tpu.memory_space<vmem>>) attributes {dimension_semantics = [#tpu.dimension_semantics<core_parallel>, #tpu.dimension_semantics<subcore_parallel>], iteration_bounds = array<i64: 2, 16>, scalar_prefetch = 0 : i64, scratch_operands = 3 : i64, tpu.core_type = #tpu.core_type<sc_vector_subcore>, window_params = [{transform_indices = #map}, {transform_indices = #map1}, {transform_indices = #map1}]} {
    %eq3A = arith.constant 0 : i32
    %eq3A_0 = arith.cmpi eq, %arg0, %eq3A : i32
    %eq3A_1 = arith.constant 0 : i32
    %eq3A_2 = arith.cmpi eq, %arg1, %eq3A_1 : i32
    %and3A = arith.andi %eq3A_0, %eq3A_2 : i1
    %convert_element_type3A = arith.extui %and3A : i1 to i32
    %cond3A = arith.constant 0 : i32
    %cond3A_3 = arith.cmpi ne, %convert_element_type3A, %cond3A : i32
    scf.if %cond3A_3 {
      "tpu.region"() ({
        %run_scoped3A = tpu.sem_alloc : memref<!tpu.dma_semaphore, #tpu.memory_space<semaphore_mem>>
        tpu.enqueue_dma source(%arg2 : memref<16xi32, #tpu.memory_space<hbm>>) target(%arg5 : memref<16xi32, #tpu.memory_space<vmem>>) target_semaphore(%run_scoped3A : memref<!tpu.dma_semaphore, #tpu.memory_space<semaphore_mem>>)
        tpu.wait_dma2 semaphore(%run_scoped3A : memref<!tpu.dma_semaphore, #tpu.memory_space<semaphore_mem>>) src(%arg2 : memref<16xi32, #tpu.memory_space<hbm>>) dst(%arg5 : memref<16xi32, #tpu.memory_space<vmem>>)
        tpu.yield
      }) : () -> ()
      "tpu.region"() ({
        %run_scoped3A = tpu.sem_alloc : memref<!tpu.dma_semaphore, #tpu.memory_space<semaphore_mem>>
        tpu.enqueue_dma source(%arg3 : memref<8x64xf32, #tpu.memory_space<hbm>>) target(%arg6 : memref<8x64xf32, #tpu.memory_space<vmem>>) target_semaphore(%run_scoped3A : memref<!tpu.dma_semaphore, #tpu.memory_space<semaphore_mem>>)
        tpu.wait_dma2 semaphore(%run_scoped3A : memref<!tpu.dma_semaphore, #tpu.memory_space<semaphore_mem>>) src(%arg3 : memref<8x64xf32, #tpu.memory_space<hbm>>) dst(%arg6 : memref<8x64xf32, #tpu.memory_space<vmem>>)
        tpu.yield
      }) : () -> ()
      %get3A = arith.constant 0 : index
      %get3A_4 = tpu.vector_load %arg5[%get3A] {strides = array<i32>} : memref<16xi32, #tpu.memory_space<vmem>>, vector<16xi32>,
      %get3A_5 = vector.shape_cast %get3A_4 : vector<16xi32> to vector<16xi32>
      %jit3A = arith.constant 8 : i32
      %eq3A_6 = arith.constant 0 : i32
      %eq3A_7 = arith.cmpi eq, %jit3A, %eq3A_6 : i32
      %jit3A_8 = arith.constant 1 : i32
      %select_n3A = arith.select %eq3A_7, %jit3A_8, %jit3A : i32
      %rem3A = vector.broadcast %select_n3A : i32 to vector<16xi32>
      %rem3A_9 = arith.remsi %get3A_5, %rem3A : vector<16xi32>
      %ne3A = arith.constant 0 : i32
      %ne3A_10 = vector.broadcast %ne3A : i32 to vector<16xi32>
      %ne3A_11 = arith.cmpi ne, %rem3A_9, %ne3A_10 : vector<16xi32>
      %lt3A = arith.constant 0 : i32
      %lt3A_12 = vector.broadcast %lt3A : i32 to vector<16xi32>
      %lt3A_13 = arith.cmpi slt, %rem3A_9, %lt3A_12 : vector<16xi32>
      %lt3A_14 = arith.constant 0 : i32
      %lt3A_15 = arith.cmpi slt, %select_n3A, %lt3A_14 : i32
      %ne3A_16 = vector.broadcast %lt3A_15 : i1 to vector<16xi1>
      %ne3A_17 = vector.broadcast %ne3A_16 : vector<16xi1> to vector<16xi1>
      %ne3A_18 = arith.xori %lt3A_13, %ne3A_17 : vector<16xi1>
      %and3A_19 = arith.andi %ne3A_18, %ne3A_11 : vector<16xi1>
      %add3A = vector.broadcast %select_n3A : i32 to vector<16xi32>
      %add3A_20 = arith.addi %rem3A_9, %add3A : vector<16xi32>
      %select_n3A_21 = arith.select %and3A_19, %add3A_20, %rem3A_9 : vector<16xi1>, vector<16xi32>
      %broadcast_in_dim3A = arith.constant 0.000000e+00 : f32
      %broadcast_in_dim3A_22 = vector.broadcast %broadcast_in_dim3A : f32 to vector<16xf32>
      %get3A_23 = arith.constant 0 : i32
      %get3A_24 = arith.index_cast %get3A_23 : i32 to index
      %get3A_25 = arith.constant 0 : index
      %get3A_26 = tpu.vector_load %arg6[%get3A_24, %get3A_25] {strides = array<i32>} : memref<8x64xf32, #tpu.memory_space<vmem>>, vector<1x16xf32>,
      %get3A_27 = vector.shape_cast %get3A_26 : vector<1x16xf32> to vector<16xf32>
      %eq3A_28 = arith.constant 0 : i32
      %eq3A_29 = vector.broadcast %eq3A_28 : i32 to vector<16xi32>
      %eq3A_30 = arith.cmpi eq, %select_n3A_21, %eq3A_29 : vector<16xi32>
      %select_n3A_31 = arith.select %eq3A_30, %get3A_27, %broadcast_in_dim3A_22 : vector<16xi1>, vector<16xf32>
      %get3A_32 = arith.constant 1 : i32
      %get3A_33 = arith.index_cast %get3A_32 : i32 to index
      %get3A_34 = arith.constant 0 : index
      %get3A_35 = tpu.vector_load %arg6[%get3A_33, %get3A_34] {strides = array<i32>} : memref<8x64xf32, #tpu.memory_space<vmem>>, vector<1x16xf32>,
      %get3A_36 = vector.shape_cast %get3A_35 : vector<1x16xf32> to vector<16xf32>
      %eq3A_37 = arith.constant 1 : i32
      %eq3A_38 = vector.broadcast %eq3A_37 : i32 to vector<16xi32>
      %eq3A_39 = arith.cmpi eq, %select_n3A_21, %eq3A_38 : vector<16xi32>
      %select_n3A_40 = arith.select %eq3A_39, %get3A_36, %select_n3A_31 : vector<16xi1>, vector<16xf32>
      %get3A_41 = arith.constant 2 : i32
      %get3A_42 = arith.index_cast %get3A_41 : i32 to index
      %get3A_43 = arith.constant 0 : index
      %get3A_44 = tpu.vector_load %arg6[%get3A_42, %get3A_43] {strides = array<i32>} : memref<8x64xf32, #tpu.memory_space<vmem>>, vector<1x16xf32>,
      %get3A_45 = vector.shape_cast %get3A_44 : vector<1x16xf32> to vector<16xf32>
      %eq3A_46 = arith.constant 2 : i32
      %eq3A_47 = vector.broadcast %eq3A_46 : i32 to vector<16xi32>
      %eq3A_48 = arith.cmpi eq, %select_n3A_21, %eq3A_47 : vector<16xi32>
      %select_n3A_49 = arith.select %eq3A_48, %get3A_45, %select_n3A_40 : vector<16xi1>, vector<16xf32>
      %get3A_50 = arith.constant 3 : i32
      %get3A_51 = arith.index_cast %get3A_50 : i32 to index
      %get3A_52 = arith.constant 0 : index
      %get3A_53 = tpu.vector_load %arg6[%get3A_51, %get3A_52] {strides = array<i32>} : memref<8x64xf32, #tpu.memory_space<vmem>>, vector<1x16xf32>,
      %get3A_54 = vector.shape_cast %get3A_53 : vector<1x16xf32> to vector<16xf32>
      %eq3A_55 = arith.constant 3 : i32
      %eq3A_56 = vector.broadcast %eq3A_55 : i32 to vector<16xi32>
      %eq3A_57 = arith.cmpi eq, %select_n3A_21, %eq3A_56 : vector<16xi32>
      %select_n3A_58 = arith.select %eq3A_57, %get3A_54, %select_n3A_49 : vector<16xi1>, vector<16xf32>
      %get3A_59 = arith.constant 4 : i32
      %get3A_60 = arith.index_cast %get3A_59 : i32 to index
      %get3A_61 = arith.constant 0 : index
      %get3A_62 = tpu.vector_load %arg6[%get3A_60, %get3A_61] {strides = array<i32>} : memref<8x64xf32, #tpu.memory_space<vmem>>, vector<1x16xf32>,
      %get3A_63 = vector.shape_cast %get3A_62 : vector<1x16xf32> to vector<16xf32>
      %eq3A_64 = arith.constant 4 : i32
      %eq3A_65 = vector.broadcast %eq3A_64 : i32 to vector<16xi32>
      %eq3A_66 = arith.cmpi eq, %select_n3A_21, %eq3A_65 : vector<16xi32>
      %select_n3A_67 = arith.select %eq3A_66, %get3A_63, %select_n3A_58 : vector<16xi1>, vector<16xf32>
      %get3A_68 = arith.constant 5 : i32
      %get3A_69 = arith.index_cast %get3A_68 : i32 to index
      %get3A_70 = arith.constant 0 : index
      %get3A_71 = tpu.vector_load %arg6[%get3A_69, %get3A_70] {strides = array<i32>} : memref<8x64xf32, #tpu.memory_space<vmem>>, vector<1x16xf32>,
      %get3A_72 = vector.shape_cast %get3A_71 : vector<1x16xf32> to vector<16xf32>
      %eq3A_73 = arith.constant 5 : i32
      %eq3A_74 = vector.broadcast %eq3A_73 : i32 to vector<16xi32>
      %eq3A_75 = arith.cmpi eq, %select_n3A_21, %eq3A_74 : vector<16xi32>
      %select_n3A_76 = arith.select %eq3A_75, %get3A_72, %select_n3A_67 : vector<16xi1>, vector<16xf32>
      %get3A_77 = arith.constant 6 : i32
      %get3A_78 = arith.index_cast %get3A_77 : i32 to index
      %get3A_79 = arith.constant 0 : index
      %get3A_80 = tpu.vector_load %arg6[%get3A_78, %get3A_79] {strides = array<i32>} : memref<8x64xf32, #tpu.memory_space<vmem>>, vector<1x16xf32>,
      %get3A_81 = vector.shape_cast %get3A_80 : vector<1x16xf32> to vector<16xf32>
      %eq3A_82 = arith.constant 6 : i32
      %eq3A_83 = vector.broadcast %eq3A_82 : i32 to vector<16xi32>
      %eq3A_84 = arith.cmpi eq, %select_n3A_21, %eq3A_83 : vector<16xi32>
      %select_n3A_85 = arith.select %eq3A_84, %get3A_81, %select_n3A_76 : vector<16xi1>, vector<16xf32>
      %get3A_86 = arith.constant 7 : i32
      %get3A_87 = arith.index_cast %get3A_86 : i32 to index
      %get3A_88 = arith.constant 0 : index
      %get3A_89 = tpu.vector_load %arg6[%get3A_87, %get3A_88] {strides = array<i32>} : memref<8x64xf32, #tpu.memory_space<vmem>>, vector<1x16xf32>,
      %get3A_90 = vector.shape_cast %get3A_89 : vector<1x16xf32> to vector<16xf32>
      %eq3A_91 = arith.constant 7 : i32
      %eq3A_92 = vector.broadcast %eq3A_91 : i32 to vector<16xi32>
      %eq3A_93 = arith.cmpi eq, %select_n3A_21, %eq3A_92 : vector<16xi32>
      %select_n3A_94 = arith.select %eq3A_93, %get3A_90, %select_n3A_85 : vector<16xi1>, vector<16xf32>
      %swap3A = arith.constant 0 : i32
      %swap3A_95 = arith.index_cast %swap3A : i32 to index
      %swap3A_96 = arith.constant 0 : index
      %swap3A_97 = tpu.vector_load %arg7[%swap3A_95, %swap3A_96] {strides = array<i32>} : memref<8x64xf32, #tpu.memory_space<vmem>>, vector<1x16xf32>,
      %swap3A_98 = vector.shape_cast %swap3A_97 : vector<1x16xf32> to vector<16xf32>
      %swap3A_99 = vector.shape_cast %select_n3A_94 : vector<16xf32> to vector<1x16xf32>
      tpu.vector_store %arg7[%swap3A_95, %swap3A_96], %swap3A_99 {strides = array<i32>} : memref<8x64xf32, #tpu.memory_space<vmem>>, vector<1x16xf32>,
      %swap3A_100 = arith.constant 1 : i32
      %swap3A_101 = arith.index_cast %swap3A_100 : i32 to index
      %swap3A_102 = arith.constant 0 : index
      %swap3A_103 = tpu.vector_load %arg7[%swap3A_101, %swap3A_102] {strides = array<i32>} : memref<8x64xf32, #tpu.memory_space<vmem>>, vector<1x16xf32>,
      %swap3A_104 = vector.shape_cast %swap3A_103 : vector<1x16xf32> to vector<16xf32>
      %swap3A_105 = vector.shape_cast %select_n3A_94 : vector<16xf32> to vector<1x16xf32>
      tpu.vector_store %arg7[%swap3A_101, %swap3A_102], %swap3A_105 {strides = array<i32>} : memref<8x64xf32, #tpu.memory_space<vmem>>, vector<1x16xf32>,
      %swap3A_106 = arith.constant 2 : i32
      %swap3A_107 = arith.index_cast %swap3A_106 : i32 to index
      %swap3A_108 = arith.constant 0 : index
      %swap3A_109 = tpu.vector_load %arg7[%swap3A_107, %swap3A_108] {strides = array<i32>} : memref<8x64xf32, #tpu.memory_space<vmem>>, vector<1x16xf32>,
      %swap3A_110 = vector.shape_cast %swap3A_109 : vector<1x16xf32> to vector<16xf32>
      %swap3A_111 = vector.shape_cast %select_n3A_94 : vector<16xf32> to vector<1x16xf32>
      tpu.vector_store %arg7[%swap3A_107, %swap3A_108], %swap3A_111 {strides = array<i32>} : memref<8x64xf32, #tpu.memory_space<vmem>>, vector<1x16xf32>,
      %swap3A_112 = arith.constant 3 : i32
      %swap3A_113 = arith.index_cast %swap3A_112 : i32 to index
      %swap3A_114 = arith.constant 0 : index
      %swap3A_115 = tpu.vector_load %arg7[%swap3A_113, %swap3A_114] {strides = array<i32>} : memref<8x64xf32, #tpu.memory_space<vmem>>, vector<1x16xf32>,
      %swap3A_116 = vector.shape_cast %swap3A_115 : vector<1x16xf32> to vector<16xf32>
      %swap3A_117 = vector.shape_cast %select_n3A_94 : vector<16xf32> to vector<1x16xf32>
      tpu.vector_store %arg7[%swap3A_113, %swap3A_114], %swap3A_117 {strides = array<i32>} : memref<8x64xf32, #tpu.memory_space<vmem>>, vector<1x16xf32>,
      %swap3A_118 = arith.constant 4 : i32
      %swap3A_119 = arith.index_cast %swap3A_118 : i32 to index
      %swap3A_120 = arith.constant 0 : index
      %swap3A_121 = tpu.vector_load %arg7[%swap3A_119, %swap3A_120] {strides = array<i32>} : memref<8x64xf32, #tpu.memory_space<vmem>>, vector<1x16xf32>,
      %swap3A_122 = vector.shape_cast %swap3A_121 : vector<1x16xf32> to vector<16xf32>
      %swap3A_123 = vector.shape_cast %select_n3A_94 : vector<16xf32> to vector<1x16xf32>
      tpu.vector_store %arg7[%swap3A_119, %swap3A_120], %swap3A_123 {strides = array<i32>} : memref<8x64xf32, #tpu.memory_space<vmem>>, vector<1x16xf32>,
      %swap3A_124 = arith.constant 5 : i32
      %swap3A_125 = arith.index_cast %swap3A_124 : i32 to index
      %swap3A_126 = arith.constant 0 : index
      %swap3A_127 = tpu.vector_load %arg7[%swap3A_125, %swap3A_126] {strides = array<i32>} : memref<8x64xf32, #tpu.memory_space<vmem>>, vector<1x16xf32>,
      %swap3A_128 = vector.shape_cast %swap3A_127 : vector<1x16xf32> to vector<16xf32>
      %swap3A_129 = vector.shape_cast %select_n3A_94 : vector<16xf32> to vector<1x16xf32>
      tpu.vector_store %arg7[%swap3A_125, %swap3A_126], %swap3A_129 {strides = array<i32>} : memref<8x64xf32, #tpu.memory_space<vmem>>, vector<1x16xf32>,
      %swap3A_130 = arith.constant 6 : i32
      %swap3A_131 = arith.index_cast %swap3A_130 : i32 to index
      %swap3A_132 = arith.constant 0 : index
      %swap3A_133 = tpu.vector_load %arg7[%swap3A_131, %swap3A_132] {strides = array<i32>} : memref<8x64xf32, #tpu.memory_space<vmem>>, vector<1x16xf32>,
      %swap3A_134 = vector.shape_cast %swap3A_133 : vector<1x16xf32> to vector<16xf32>
      %swap3A_135 = vector.shape_cast %select_n3A_94 : vector<16xf32> to vector<1x16xf32>
      tpu.vector_store %arg7[%swap3A_131, %swap3A_132], %swap3A_135 {strides = array<i32>} : memref<8x64xf32, #tpu.memory_space<vmem>>, vector<1x16xf32>,
      %swap3A_136 = arith.constant 7 : i32
      %swap3A_137 = arith.index_cast %swap3A_136 : i32 to index
      %swap3A_138 = arith.constant 0 : index
      %swap3A_139 = tpu.vector_load %arg7[%swap3A_137, %swap3A_138] {strides = array<i32>} : memref<8x64xf32, #tpu.memory_space<vmem>>, vector<1x16xf32>,
      %swap3A_140 = vector.shape_cast %swap3A_139 : vector<1x16xf32> to vector<16xf32>
      %swap3A_141 = vector.shape_cast %select_n3A_94 : vector<16xf32> to vector<1x16xf32>
      tpu.vector_store %arg7[%swap3A_137, %swap3A_138], %swap3A_141 {strides = array<i32>} : memref<8x64xf32, #tpu.memory_space<vmem>>, vector<1x16xf32>,
      %broadcast_in_dim3A_142 = arith.constant 0.000000e+00 : f32
      %broadcast_in_dim3A_143 = vector.broadcast %broadcast_in_dim3A_142 : f32 to vector<16xf32>
      %get3A_144 = arith.constant 0 : i32
      %get3A_145 = arith.index_cast %get3A_144 : i32 to index
      %get3A_146 = arith.constant 16 : index
      %get3A_147 = tpu.vector_load %arg6[%get3A_145, %get3A_146] {strides = array<i32>} : memref<8x64xf32, #tpu.memory_space<vmem>>, vector<1x16xf32>,
      %get3A_148 = vector.shape_cast %get3A_147 : vector<1x16xf32> to vector<16xf32>
      %eq3A_149 = arith.constant 0 : i32
      %eq3A_150 = vector.broadcast %eq3A_149 : i32 to vector<16xi32>
      %eq3A_151 = arith.cmpi eq, %select_n3A_21, %eq3A_150 : vector<16xi32>
      %select_n3A_152 = arith.select %eq3A_151, %get3A_148, %broadcast_in_dim3A_143 : vector<16xi1>, vector<16xf32>
      %get3A_153 = arith.constant 1 : i32
      %get3A_154 = arith.index_cast %get3A_153 : i32 to index
      %get3A_155 = arith.constant 16 : index
      %get3A_156 = tpu.vector_load %arg6[%get3A_154, %get3A_155] {strides = array<i32>} : memref<8x64xf32, #tpu.memory_space<vmem>>, vector<1x16xf32>,
      %get3A_157 = vector.shape_cast %get3A_156 : vector<1x16xf32> to vector<16xf32>
      %eq3A_158 = arith.constant 1 : i32
      %eq3A_159 = vector.broadcast %eq3A_158 : i32 to vector<16xi32>
      %eq3A_160 = arith.cmpi eq, %select_n3A_21, %eq3A_159 : vector<16xi32>
      %select_n3A_161 = arith.select %eq3A_160, %get3A_157, %select_n3A_152 : vector<16xi1>, vector<16xf32>
      %get3A_162 = arith.constant 2 : i32
      %get3A_163 = arith.index_cast %get3A_162 : i32 to index
      %get3A_164 = arith.constant 16 : index
      %get3A_165 = tpu.vector_load %arg6[%get3A_163, %get3A_164] {strides = array<i32>} : memref<8x64xf32, #tpu.memory_space<vmem>>, vector<1x16xf32>,
      %get3A_166 = vector.shape_cast %get3A_165 : vector<1x16xf32> to vector<16xf32>
      %eq3A_167 = arith.constant 2 : i32
      %eq3A_168 = vector.broadcast %eq3A_167 : i32 to vector<16xi32>
      %eq3A_169 = arith.cmpi eq, %select_n3A_21, %eq3A_168 : vector<16xi32>
      %select_n3A_170 = arith.select %eq3A_169, %get3A_166, %select_n3A_161 : vector<16xi1>, vector<16xf32>
      %get3A_171 = arith.constant 3 : i32
      %get3A_172 = arith.index_cast %get3A_171 : i32 to index
      %get3A_173 = arith.constant 16 : index
      %get3A_174 = tpu.vector_load %arg6[%get3A_172, %get3A_173] {strides = array<i32>} : memref<8x64xf32, #tpu.memory_space<vmem>>, vector<1x16xf32>,
      %get3A_175 = vector.shape_cast %get3A_174 : vector<1x16xf32> to vector<16xf32>
      %eq3A_176 = arith.constant 3 : i32
      %eq3A_177 = vector.broadcast %eq3A_176 : i32 to vector<16xi32>
      %eq3A_178 = arith.cmpi eq, %select_n3A_21, %eq3A_177 : vector<16xi32>
      %select_n3A_179 = arith.select %eq3A_178, %get3A_175, %select_n3A_170 : vector<16xi1>, vector<16xf32>
      %get3A_180 = arith.constant 4 : i32
      %get3A_181 = arith.index_cast %get3A_180 : i32 to index
      %get3A_182 = arith.constant 16 : index
      %get3A_183 = tpu.vector_load %arg6[%get3A_181, %get3A_182] {strides = array<i32>} : memref<8x64xf32, #tpu.memory_space<vmem>>, vector<1x16xf32>,
      %get3A_184 = vector.shape_cast %get3A_183 : vector<1x16xf32> to vector<16xf32>
      %eq3A_185 = arith.constant 4 : i32
      %eq3A_186 = vector.broadcast %eq3A_185 : i32 to vector<16xi32>
      %eq3A_187 = arith.cmpi eq, %select_n3A_21, %eq3A_186 : vector<16xi32>
      %select_n3A_188 = arith.select %eq3A_187, %get3A_184, %select_n3A_179 : vector<16xi1>, vector<16xf32>
      %get3A_189 = arith.constant 5 : i32
      %get3A_190 = arith.index_cast %get3A_189 : i32 to index
      %get3A_191 = arith.constant 16 : index
      %get3A_192 = tpu.vector_load %arg6[%get3A_190, %get3A_191] {strides = array<i32>} : memref<8x64xf32, #tpu.memory_space<vmem>>, vector<1x16xf32>,
      %get3A_193 = vector.shape_cast %get3A_192 : vector<1x16xf32> to vector<16xf32>
      %eq3A_194 = arith.constant 5 : i32
      %eq3A_195 = vector.broadcast %eq3A_194 : i32 to vector<16xi32>
      %eq3A_196 = arith.cmpi eq, %select_n3A_21, %eq3A_195 : vector<16xi32>
      %select_n3A_197 = arith.select %eq3A_196, %get3A_193, %select_n3A_188 : vector<16xi1>, vector<16xf32>
      %get3A_198 = arith.constant 6 : i32
      %get3A_199 = arith.index_cast %get3A_198 : i32 to index
      %get3A_200 = arith.constant 16 : index
      %get3A_201 = tpu.vector_load %arg6[%get3A_199, %get3A_200] {strides = array<i32>} : memref<8x64xf32, #tpu.memory_space<vmem>>, vector<1x16xf32>,
      %get3A_202 = vector.shape_cast %get3A_201 : vector<1x16xf32> to vector<16xf32>
      %eq3A_203 = arith.constant 6 : i32
      %eq3A_204 = vector.broadcast %eq3A_203 : i32 to vector<16xi32>
      %eq3A_205 = arith.cmpi eq, %select_n3A_21, %eq3A_204 : vector<16xi32>
      %select_n3A_206 = arith.select %eq3A_205, %get3A_202, %select_n3A_197 : vector<16xi1>, vector<16xf32>
      %get3A_207 = arith.constant 7 : i32
      %get3A_208 = arith.index_cast %get3A_207 : i32 to index
      %get3A_209 = arith.constant 16 : index
      %get3A_210 = tpu.vector_load %arg6[%get3A_208, %get3A_209] {strides = array<i32>} : memref<8x64xf32, #tpu.memory_space<vmem>>, vector<1x16xf32>,
      %get3A_211 = vector.shape_cast %get3A_210 : vector<1x16xf32> to vector<16xf32>
      %eq3A_212 = arith.constant 7 : i32
      %eq3A_213 = vector.broadcast %eq3A_212 : i32 to vector<16xi32>
      %eq3A_214 = arith.cmpi eq, %select_n3A_21, %eq3A_213 : vector<16xi32>
      %select_n3A_215 = arith.select %eq3A_214, %get3A_211, %select_n3A_206 : vector<16xi1>, vector<16xf32>
      %swap3A_216 = arith.constant 0 : i32
      %swap3A_217 = arith.index_cast %swap3A_216 : i32 to index
      %swap3A_218 = arith.constant 16 : index
      %swap3A_219 = tpu.vector_load %arg7[%swap3A_217, %swap3A_218] {strides = array<i32>} : memref<8x64xf32, #tpu.memory_space<vmem>>, vector<1x16xf32>,
      %swap3A_220 = vector.shape_cast %swap3A_219 : vector<1x16xf32> to vector<16xf32>
      %swap3A_221 = vector.shape_cast %select_n3A_215 : vector<16xf32> to vector<1x16xf32>
      tpu.vector_store %arg7[%swap3A_217, %swap3A_218], %swap3A_221 {strides = array<i32>} : memref<8x64xf32, #tpu.memory_space<vmem>>, vector<1x16xf32>,
      %swap3A_222 = arith.constant 1 : i32
      %swap3A_223 = arith.index_cast %swap3A_222 : i32 to index
      %swap3A_224 = arith.constant 16 : index
      %swap3A_225 = tpu.vector_load %arg7[%swap3A_223, %swap3A_224] {strides = array<i32>} : memref<8x64xf32, #tpu.memory_space<vmem>>, vector<1x16xf32>,
      %swap3A_226 = vector.shape_cast %swap3A_225 : vector<1x16xf32> to vector<16xf32>
      %swap3A_227 = vector.shape_cast %select_n3A_215 : vector<16xf32> to vector<1x16xf32>
      tpu.vector_store %arg7[%swap3A_223, %swap3A_224], %swap3A_227 {strides = array<i32>} : memref<8x64xf32, #tpu.memory_space<vmem>>, vector<1x16xf32>,
      %swap3A_228 = arith.constant 2 : i32
      %swap3A_229 = arith.index_cast %swap3A_228 : i32 to index
      %swap3A_230 = arith.constant 16 : index
      %swap3A_231 = tpu.vector_load %arg7[%swap3A_229, %swap3A_230] {strides = array<i32>} : memref<8x64xf32, #tpu.memory_space<vmem>>, vector<1x16xf32>,
      %swap3A_232 = vector.shape_cast %swap3A_231 : vector<1x16xf32> to vector<16xf32>
      %swap3A_233 = vector.shape_cast %select_n3A_215 : vector<16xf32> to vector<1x16xf32>
      tpu.vector_store %arg7[%swap3A_229, %swap3A_230], %swap3A_233 {strides = array<i32>} : memref<8x64xf32, #tpu.memory_space<vmem>>, vector<1x16xf32>,
      %swap3A_234 = arith.constant 3 : i32
      %swap3A_235 = arith.index_cast %swap3A_234 : i32 to index
      %swap3A_236 = arith.constant 16 : index
      %swap3A_237 = tpu.vector_load %arg7[%swap3A_235, %swap3A_236] {strides = array<i32>} : memref<8x64xf32, #tpu.memory_space<vmem>>, vector<1x16xf32>,
      %swap3A_238 = vector.shape_cast %swap3A_237 : vector<1x16xf32> to vector<16xf32>
      %swap3A_239 = vector.shape_cast %select_n3A_215 : vector<16xf32> to vector<1x16xf32>
      tpu.vector_store %arg7[%swap3A_235, %swap3A_236], %swap3A_239 {strides = array<i32>} : memref<8x64xf32, #tpu.memory_space<vmem>>, vector<1x16xf32>,
      %swap3A_240 = arith.constant 4 : i32
      %swap3A_241 = arith.index_cast %swap3A_240 : i32 to index
      %swap3A_242 = arith.constant 16 : index
      %swap3A_243 = tpu.vector_load %arg7[%swap3A_241, %swap3A_242] {strides = array<i32>} : memref<8x64xf32, #tpu.memory_space<vmem>>, vector<1x16xf32>,
      %swap3A_244 = vector.shape_cast %swap3A_243 : vector<1x16xf32> to vector<16xf32>
      %swap3A_245 = vector.shape_cast %select_n3A_215 : vector<16xf32> to vector<1x16xf32>
      tpu.vector_store %arg7[%swap3A_241, %swap3A_242], %swap3A_245 {strides = array<i32>} : memref<8x64xf32, #tpu.memory_space<vmem>>, vector<1x16xf32>,
      %swap3A_246 = arith.constant 5 : i32
      %swap3A_247 = arith.index_cast %swap3A_246 : i32 to index
      %swap3A_248 = arith.constant 16 : index
      %swap3A_249 = tpu.vector_load %arg7[%swap3A_247, %swap3A_248] {strides = array<i32>} : memref<8x64xf32, #tpu.memory_space<vmem>>, vector<1x16xf32>,
      %swap3A_250 = vector.shape_cast %swap3A_249 : vector<1x16xf32> to vector<16xf32>
      %swap3A_251 = vector.shape_cast %select_n3A_215 : vector<16xf32> to vector<1x16xf32>
      tpu.vector_store %arg7[%swap3A_247, %swap3A_248], %swap3A_251 {strides = array<i32>} : memref<8x64xf32, #tpu.memory_space<vmem>>, vector<1x16xf32>,
      %swap3A_252 = arith.constant 6 : i32
      %swap3A_253 = arith.index_cast %swap3A_252 : i32 to index
      %swap3A_254 = arith.constant 16 : index
      %swap3A_255 = tpu.vector_load %arg7[%swap3A_253, %swap3A_254] {strides = array<i32>} : memref<8x64xf32, #tpu.memory_space<vmem>>, vector<1x16xf32>,
      %swap3A_256 = vector.shape_cast %swap3A_255 : vector<1x16xf32> to vector<16xf32>
      %swap3A_257 = vector.shape_cast %select_n3A_215 : vector<16xf32> to vector<1x16xf32>
      tpu.vector_store %arg7[%swap3A_253, %swap3A_254], %swap3A_257 {strides = array<i32>} : memref<8x64xf32, #tpu.memory_space<vmem>>, vector<1x16xf32>,
      %swap3A_258 = arith.constant 7 : i32
      %swap3A_259 = arith.index_cast %swap3A_258 : i32 to index
      %swap3A_260 = arith.constant 16 : index
      %swap3A_261 = tpu.vector_load %arg7[%swap3A_259, %swap3A_260] {strides = array<i32>} : memref<8x64xf32, #tpu.memory_space<vmem>>, vector<1x16xf32>,
      %swap3A_262 = vector.shape_cast %swap3A_261 : vector<1x16xf32> to vector<16xf32>
      %swap3A_263 = vector.shape_cast %select_n3A_215 : vector<16xf32> to vector<1x16xf32>
      tpu.vector_store %arg7[%swap3A_259, %swap3A_260], %swap3A_263 {strides = array<i32>} : memref<8x64xf32, #tpu.memory_space<vmem>>, vector<1x16xf32>,
      %broadcast_in_dim3A_264 = arith.constant 0.000000e+00 : f32
      %broadcast_in_dim3A_265 = vector.broadcast %broadcast_in_dim3A_264 : f32 to vector<16xf32>
      %get3A_266 = arith.constant 0 : i32
      %get3A_267 = arith.index_cast %get3A_266 : i32 to index
      %get3A_268 = arith.constant 32 : index
      %get3A_269 = tpu.vector_load %arg6[%get3A_267, %get3A_268] {strides = array<i32>} : memref<8x64xf32, #tpu.memory_space<vmem>>, vector<1x16xf32>,
      %get3A_270 = vector.shape_cast %get3A_269 : vector<1x16xf32> to vector<16xf32>
      %eq3A_271 = arith.constant 0 : i32
      %eq3A_272 = vector.broadcast %eq3A_271 : i32 to vector<16xi32>
      %eq3A_273 = arith.cmpi eq, %select_n3A_21, %eq3A_272 : vector<16xi32>
      %select_n3A_274 = arith.select %eq3A_273, %get3A_270, %broadcast_in_dim3A_265 : vector<16xi1>, vector<16xf32>
      %get3A_275 = arith.constant 1 : i32
      %get3A_276 = arith.index_cast %get3A_275 : i32 to index
      %get3A_277 = arith.constant 32 : index
      %get3A_278 = tpu.vector_load %arg6[%get3A_276, %get3A_277] {strides = array<i32>} : memref<8x64xf32, #tpu.memory_space<vmem>>, vector<1x16xf32>,
      %get3A_279 = vector.shape_cast %get3A_278 : vector<1x16xf32> to vector<16xf32>
      %eq3A_280 = arith.constant 1 : i32
      %eq3A_281 = vector.broadcast %eq3A_280 : i32 to vector<16xi32>
      %eq3A_282 = arith.cmpi eq, %select_n3A_21, %eq3A_281 : vector<16xi32>
      %select_n3A_283 = arith.select %eq3A_282, %get3A_279, %select_n3A_274 : vector<16xi1>, vector<16xf32>
      %get3A_284 = arith.constant 2 : i32
      %get3A_285 = arith.index_cast %get3A_284 : i32 to index
      %get3A_286 = arith.constant 32 : index
      %get3A_287 = tpu.vector_load %arg6[%get3A_285, %get3A_286] {strides = array<i32>} : memref<8x64xf32, #tpu.memory_space<vmem>>, vector<1x16xf32>,
      %get3A_288 = vector.shape_cast %get3A_287 : vector<1x16xf32> to vector<16xf32>
      %eq3A_289 = arith.constant 2 : i32
      %eq3A_290 = vector.broadcast %eq3A_289 : i32 to vector<16xi32>
      %eq3A_291 = arith.cmpi eq, %select_n3A_21, %eq3A_290 : vector<16xi32>
      %select_n3A_292 = arith.select %eq3A_291, %get3A_288, %select_n3A_283 : vector<16xi1>, vector<16xf32>
      %get3A_293 = arith.constant 3 : i32
      %get3A_294 = arith.index_cast %get3A_293 : i32 to index
      %get3A_295 = arith.constant 32 : index
      %get3A_296 = tpu.vector_load %arg6[%get3A_294, %get3A_295] {strides = array<i32>} : memref<8x64xf32, #tpu.memory_space<vmem>>, vector<1x16xf32>,
      %get3A_297 = vector.shape_cast %get3A_296 : vector<1x16xf32> to vector<16xf32>
      %eq3A_298 = arith.constant 3 : i32
      %eq3A_299 = vector.broadcast %eq3A_298 : i32 to vector<16xi32>
      %eq3A_300 = arith.cmpi eq, %select_n3A_21, %eq3A_299 : vector<16xi32>
      %select_n3A_301 = arith.select %eq3A_300, %get3A_297, %select_n3A_292 : vector<16xi1>, vector<16xf32>
      %get3A_302 = arith.constant 4 : i32
      %get3A_303 = arith.index_cast %get3A_302 : i32 to index
      %get3A_304 = arith.constant 32 : index
      %get3A_305 = tpu.vector_load %arg6[%get3A_303, %get3A_304] {strides = array<i32>} : memref<8x64xf32, #tpu.memory_space<vmem>>, vector<1x16xf32>,
      %get3A_306 = vector.shape_cast %get3A_305 : vector<1x16xf32> to vector<16xf32>
      %eq3A_307 = arith.constant 4 : i32
      %eq3A_308 = vector.broadcast %eq3A_307 : i32 to vector<16xi32>
      %eq3A_309 = arith.cmpi eq, %select_n3A_21, %eq3A_308 : vector<16xi32>
      %select_n3A_310 = arith.select %eq3A_309, %get3A_306, %select_n3A_301 : vector<16xi1>, vector<16xf32>
      %get3A_311 = arith.constant 5 : i32
      %get3A_312 = arith.index_cast %get3A_311 : i32 to index
      %get3A_313 = arith.constant 32 : index
      %get3A_314 = tpu.vector_load %arg6[%get3A_312, %get3A_313] {strides = array<i32>} : memref<8x64xf32, #tpu.memory_space<vmem>>, vector<1x16xf32>,
      %get3A_315 = vector.shape_cast %get3A_314 : vector<1x16xf32> to vector<16xf32>
      %eq3A_316 = arith.constant 5 : i32
      %eq3A_317 = vector.broadcast %eq3A_316 : i32 to vector<16xi32>
      %eq3A_318 = arith.cmpi eq, %select_n3A_21, %eq3A_317 : vector<16xi32>
      %select_n3A_319 = arith.select %eq3A_318, %get3A_315, %select_n3A_310 : vector<16xi1>, vector<16xf32>
      %get3A_320 = arith.constant 6 : i32
      %get3A_321 = arith.index_cast %get3A_320 : i32 to index
      %get3A_322 = arith.constant 32 : index
      %get3A_323 = tpu.vector_load %arg6[%get3A_321, %get3A_322] {strides = array<i32>} : memref<8x64xf32, #tpu.memory_space<vmem>>, vector<1x16xf32>,
      %get3A_324 = vector.shape_cast %get3A_323 : vector<1x16xf32> to vector<16xf32>
      %eq3A_325 = arith.constant 6 : i32
      %eq3A_326 = vector.broadcast %eq3A_325 : i32 to vector<16xi32>
      %eq3A_327 = arith.cmpi eq, %select_n3A_21, %eq3A_326 : vector<16xi32>
      %select_n3A_328 = arith.select %eq3A_327, %get3A_324, %select_n3A_319 : vector<16xi1>, vector<16xf32>
      %get3A_329 = arith.constant 7 : i32
      %get3A_330 = arith.index_cast %get3A_329 : i32 to index
      %get3A_331 = arith.constant 32 : index
      %get3A_332 = tpu.vector_load %arg6[%get3A_330, %get3A_331] {strides = array<i32>} : memref<8x64xf32, #tpu.memory_space<vmem>>, vector<1x16xf32>,
      %get3A_333 = vector.shape_cast %get3A_332 : vector<1x16xf32> to vector<16xf32>
      %eq3A_334 = arith.constant 7 : i32
      %eq3A_335 = vector.broadcast %eq3A_334 : i32 to vector<16xi32>
      %eq3A_336 = arith.cmpi eq, %select_n3A_21, %eq3A_335 : vector<16xi32>
      %select_n3A_337 = arith.select %eq3A_336, %get3A_333, %select_n3A_328 : vector<16xi1>, vector<16xf32>
      %swap3A_338 = arith.constant 0 : i32
      %swap3A_339 = arith.index_cast %swap3A_338 : i32 to index
      %swap3A_340 = arith.constant 32 : index
      %swap3A_341 = tpu.vector_load %arg7[%swap3A_339, %swap3A_340] {strides = array<i32>} : memref<8x64xf32, #tpu.memory_space<vmem>>, vector<1x16xf32>,
      %swap3A_342 = vector.shape_cast %swap3A_341 : vector<1x16xf32> to vector<16xf32>
      %swap3A_343 = vector.shape_cast %select_n3A_337 : vector<16xf32> to vector<1x16xf32>
      tpu.vector_store %arg7[%swap3A_339, %swap3A_340], %swap3A_343 {strides = array<i32>} : memref<8x64xf32, #tpu.memory_space<vmem>>, vector<1x16xf32>,
      %swap3A_344 = arith.constant 1 : i32
      %swap3A_345 = arith.index_cast %swap3A_344 : i32 to index
      %swap3A_346 = arith.constant 32 : index
      %swap3A_347 = tpu.vector_load %arg7[%swap3A_345, %swap3A_346] {strides = array<i32>} : memref<8x64xf32, #tpu.memory_space<vmem>>, vector<1x16xf32>,
      %swap3A_348 = vector.shape_cast %swap3A_347 : vector<1x16xf32> to vector<16xf32>
      %swap3A_349 = vector.shape_cast %select_n3A_337 : vector<16xf32> to vector<1x16xf32>
      tpu.vector_store %arg7[%swap3A_345, %swap3A_346], %swap3A_349 {strides = array<i32>} : memref<8x64xf32, #tpu.memory_space<vmem>>, vector<1x16xf32>,
      %swap3A_350 = arith.constant 2 : i32
      %swap3A_351 = arith.index_cast %swap3A_350 : i32 to index
      %swap3A_352 = arith.constant 32 : index
      %swap3A_353 = tpu.vector_load %arg7[%swap3A_351, %swap3A_352] {strides = array<i32>} : memref<8x64xf32, #tpu.memory_space<vmem>>, vector<1x16xf32>,
      %swap3A_354 = vector.shape_cast %swap3A_353 : vector<1x16xf32> to vector<16xf32>
      %swap3A_355 = vector.shape_cast %select_n3A_337 : vector<16xf32> to vector<1x16xf32>
      tpu.vector_store %arg7[%swap3A_351, %swap3A_352], %swap3A_355 {strides = array<i32>} : memref<8x64xf32, #tpu.memory_space<vmem>>, vector<1x16xf32>,
      %swap3A_356 = arith.constant 3 : i32
      %swap3A_357 = arith.index_cast %swap3A_356 : i32 to index
      %swap3A_358 = arith.constant 32 : index
      %swap3A_359 = tpu.vector_load %arg7[%swap3A_357, %swap3A_358] {strides = array<i32>} : memref<8x64xf32, #tpu.memory_space<vmem>>, vector<1x16xf32>,
      %swap3A_360 = vector.shape_cast %swap3A_359 : vector<1x16xf32> to vector<16xf32>
      %swap3A_361 = vector.shape_cast %select_n3A_337 : vector<16xf32> to vector<1x16xf32>
      tpu.vector_store %arg7[%swap3A_357, %swap3A_358], %swap3A_361 {strides = array<i32>} : memref<8x64xf32, #tpu.memory_space<vmem>>, vector<1x16xf32>,
      %swap3A_362 = arith.constant 4 : i32
      %swap3A_363 = arith.index_cast %swap3A_362 : i32 to index
      %swap3A_364 = arith.constant 32 : index
      %swap3A_365 = tpu.vector_load %arg7[%swap3A_363, %swap3A_364] {strides = array<i32>} : memref<8x64xf32, #tpu.memory_space<vmem>>, vector<1x16xf32>,
      %swap3A_366 = vector.shape_cast %swap3A_365 : vector<1x16xf32> to vector<16xf32>
      %swap3A_367 = vector.shape_cast %select_n3A_337 : vector<16xf32> to vector<1x16xf32>
      tpu.vector_store %arg7[%swap3A_363, %swap3A_364], %swap3A_367 {strides = array<i32>} : memref<8x64xf32, #tpu.memory_space<vmem>>, vector<1x16xf32>,
      %swap3A_368 = arith.constant 5 : i32
      %swap3A_369 = arith.index_cast %swap3A_368 : i32 to index
      %swap3A_370 = arith.constant 32 : index
      %swap3A_371 = tpu.vector_load %arg7[%swap3A_369, %swap3A_370] {strides = array<i32>} : memref<8x64xf32, #tpu.memory_space<vmem>>, vector<1x16xf32>,
      %swap3A_372 = vector.shape_cast %swap3A_371 : vector<1x16xf32> to vector<16xf32>
      %swap3A_373 = vector.shape_cast %select_n3A_337 : vector<16xf32> to vector<1x16xf32>
      tpu.vector_store %arg7[%swap3A_369, %swap3A_370], %swap3A_373 {strides = array<i32>} : memref<8x64xf32, #tpu.memory_space<vmem>>, vector<1x16xf32>,
      %swap3A_374 = arith.constant 6 : i32
      %swap3A_375 = arith.index_cast %swap3A_374 : i32 to index
      %swap3A_376 = arith.constant 32 : index
      %swap3A_377 = tpu.vector_load %arg7[%swap3A_375, %swap3A_376] {strides = array<i32>} : memref<8x64xf32, #tpu.memory_space<vmem>>, vector<1x16xf32>,
      %swap3A_378 = vector.shape_cast %swap3A_377 : vector<1x16xf32> to vector<16xf32>
      %swap3A_379 = vector.shape_cast %select_n3A_337 : vector<16xf32> to vector<1x16xf32>
      tpu.vector_store %arg7[%swap3A_375, %swap3A_376], %swap3A_379 {strides = array<i32>} : memref<8x64xf32, #tpu.memory_space<vmem>>, vector<1x16xf32>,
      %swap3A_380 = arith.constant 7 : i32
      %swap3A_381 = arith.index_cast %swap3A_380 : i32 to index
      %swap3A_382 = arith.constant 32 : index
      %swap3A_383 = tpu.vector_load %arg7[%swap3A_381, %swap3A_382] {strides = array<i32>} : memref<8x64xf32, #tpu.memory_space<vmem>>, vector<1x16xf32>,
      %swap3A_384 = vector.shape_cast %swap3A_383 : vector<1x16xf32> to vector<16xf32>
      %swap3A_385 = vector.shape_cast %select_n3A_337 : vector<16xf32> to vector<1x16xf32>
      tpu.vector_store %arg7[%swap3A_381, %swap3A_382], %swap3A_385 {strides = array<i32>} : memref<8x64xf32, #tpu.memory_space<vmem>>, vector<1x16xf32>,
      %broadcast_in_dim3A_386 = arith.constant 0.000000e+00 : f32
      %broadcast_in_dim3A_387 = vector.broadcast %broadcast_in_dim3A_386 : f32 to vector<16xf32>
      %get3A_388 = arith.constant 0 : i32
      %get3A_389 = arith.index_cast %get3A_388 : i32 to index
      %get3A_390 = arith.constant 48 : index
      %get3A_391 = tpu.vector_load %arg6[%get3A_389, %get3A_390] {strides = array<i32>} : memref<8x64xf32, #tpu.memory_space<vmem>>, vector<1x16xf32>,
      %get3A_392 = vector.shape_cast %get3A_391 : vector<1x16xf32> to vector<16xf32>
      %eq3A_393 = arith.constant 0 : i32
      %eq3A_394 = vector.broadcast %eq3A_393 : i32 to vector<16xi32>
      %eq3A_395 = arith.cmpi eq, %select_n3A_21, %eq3A_394 : vector<16xi32>
      %select_n3A_396 = arith.select %eq3A_395, %get3A_392, %broadcast_in_dim3A_387 : vector<16xi1>, vector<16xf32>
      %get3A_397 = arith.constant 1 : i32
      %get3A_398 = arith.index_cast %get3A_397 : i32 to index
      %get3A_399 = arith.constant 48 : index
      %get3A_400 = tpu.vector_load %arg6[%get3A_398, %get3A_399] {strides = array<i32>} : memref<8x64xf32, #tpu.memory_space<vmem>>, vector<1x16xf32>,
      %get3A_401 = vector.shape_cast %get3A_400 : vector<1x16xf32> to vector<16xf32>
      %eq3A_402 = arith.constant 1 : i32
      %eq3A_403 = vector.broadcast %eq3A_402 : i32 to vector<16xi32>
      %eq3A_404 = arith.cmpi eq, %select_n3A_21, %eq3A_403 : vector<16xi32>
      %select_n3A_405 = arith.select %eq3A_404, %get3A_401, %select_n3A_396 : vector<16xi1>, vector<16xf32>
      %get3A_406 = arith.constant 2 : i32
      %get3A_407 = arith.index_cast %get3A_406 : i32 to index
      %get3A_408 = arith.constant 48 : index
      %get3A_409 = tpu.vector_load %arg6[%get3A_407, %get3A_408] {strides = array<i32>} : memref<8x64xf32, #tpu.memory_space<vmem>>, vector<1x16xf32>,
      %get3A_410 = vector.shape_cast %get3A_409 : vector<1x16xf32> to vector<16xf32>
      %eq3A_411 = arith.constant 2 : i32
      %eq3A_412 = vector.broadcast %eq3A_411 : i32 to vector<16xi32>
      %eq3A_413 = arith.cmpi eq, %select_n3A_21, %eq3A_412 : vector<16xi32>
      %select_n3A_414 = arith.select %eq3A_413, %get3A_410, %select_n3A_405 : vector<16xi1>, vector<16xf32>
      %get3A_415 = arith.constant 3 : i32
      %get3A_416 = arith.index_cast %get3A_415 : i32 to index
      %get3A_417 = arith.constant 48 : index
      %get3A_418 = tpu.vector_load %arg6[%get3A_416, %get3A_417] {strides = array<i32>} : memref<8x64xf32, #tpu.memory_space<vmem>>, vector<1x16xf32>,
      %get3A_419 = vector.shape_cast %get3A_418 : vector<1x16xf32> to vector<16xf32>
      %eq3A_420 = arith.constant 3 : i32
      %eq3A_421 = vector.broadcast %eq3A_420 : i32 to vector<16xi32>
      %eq3A_422 = arith.cmpi eq, %select_n3A_21, %eq3A_421 : vector<16xi32>
      %select_n3A_423 = arith.select %eq3A_422, %get3A_419, %select_n3A_414 : vector<16xi1>, vector<16xf32>
      %get3A_424 = arith.constant 4 : i32
      %get3A_425 = arith.index_cast %get3A_424 : i32 to index
      %get3A_426 = arith.constant 48 : index
      %get3A_427 = tpu.vector_load %arg6[%get3A_425, %get3A_426] {strides = array<i32>} : memref<8x64xf32, #tpu.memory_space<vmem>>, vector<1x16xf32>,
      %get3A_428 = vector.shape_cast %get3A_427 : vector<1x16xf32> to vector<16xf32>
      %eq3A_429 = arith.constant 4 : i32
      %eq3A_430 = vector.broadcast %eq3A_429 : i32 to vector<16xi32>
      %eq3A_431 = arith.cmpi eq, %select_n3A_21, %eq3A_430 : vector<16xi32>
      %select_n3A_432 = arith.select %eq3A_431, %get3A_428, %select_n3A_423 : vector<16xi1>, vector<16xf32>
      %get3A_433 = arith.constant 5 : i32
      %get3A_434 = arith.index_cast %get3A_433 : i32 to index
      %get3A_435 = arith.constant 48 : index
      %get3A_436 = tpu.vector_load %arg6[%get3A_434, %get3A_435] {strides = array<i32>} : memref<8x64xf32, #tpu.memory_space<vmem>>, vector<1x16xf32>,
      %get3A_437 = vector.shape_cast %get3A_436 : vector<1x16xf32> to vector<16xf32>
      %eq3A_438 = arith.constant 5 : i32
      %eq3A_439 = vector.broadcast %eq3A_438 : i32 to vector<16xi32>
      %eq3A_440 = arith.cmpi eq, %select_n3A_21, %eq3A_439 : vector<16xi32>
      %select_n3A_441 = arith.select %eq3A_440, %get3A_437, %select_n3A_432 : vector<16xi1>, vector<16xf32>
      %get3A_442 = arith.constant 6 : i32
      %get3A_443 = arith.index_cast %get3A_442 : i32 to index
      %get3A_444 = arith.constant 48 : index
      %get3A_445 = tpu.vector_load %arg6[%get3A_443, %get3A_444] {strides = array<i32>} : memref<8x64xf32, #tpu.memory_space<vmem>>, vector<1x16xf32>,
      %get3A_446 = vector.shape_cast %get3A_445 : vector<1x16xf32> to vector<16xf32>
      %eq3A_447 = arith.constant 6 : i32
      %eq3A_448 = vector.broadcast %eq3A_447 : i32 to vector<16xi32>
      %eq3A_449 = arith.cmpi eq, %select_n3A_21, %eq3A_448 : vector<16xi32>
      %select_n3A_450 = arith.select %eq3A_449, %get3A_446, %select_n3A_441 : vector<16xi1>, vector<16xf32>
      %get3A_451 = arith.constant 7 : i32
      %get3A_452 = arith.index_cast %get3A_451 : i32 to index
      %get3A_453 = arith.constant 48 : index
      %get3A_454 = tpu.vector_load %arg6[%get3A_452, %get3A_453] {strides = array<i32>} : memref<8x64xf32, #tpu.memory_space<vmem>>, vector<1x16xf32>,
      %get3A_455 = vector.shape_cast %get3A_454 : vector<1x16xf32> to vector<16xf32>
      %eq3A_456 = arith.constant 7 : i32
      %eq3A_457 = vector.broadcast %eq3A_456 : i32 to vector<16xi32>
      %eq3A_458 = arith.cmpi eq, %select_n3A_21, %eq3A_457 : vector<16xi32>
      %select_n3A_459 = arith.select %eq3A_458, %get3A_455, %select_n3A_450 : vector<16xi1>, vector<16xf32>
      %swap3A_460 = arith.constant 0 : i32
      %swap3A_461 = arith.index_cast %swap3A_460 : i32 to index
      %swap3A_462 = arith.constant 48 : index
      %swap3A_463 = tpu.vector_load %arg7[%swap3A_461, %swap3A_462] {strides = array<i32>} : memref<8x64xf32, #tpu.memory_space<vmem>>, vector<1x16xf32>,
      %swap3A_464 = vector.shape_cast %swap3A_463 : vector<1x16xf32> to vector<16xf32>
      %swap3A_465 = vector.shape_cast %select_n3A_459 : vector<16xf32> to vector<1x16xf32>
      tpu.vector_store %arg7[%swap3A_461, %swap3A_462], %swap3A_465 {strides = array<i32>} : memref<8x64xf32, #tpu.memory_space<vmem>>, vector<1x16xf32>,
      %swap3A_466 = arith.constant 1 : i32
      %swap3A_467 = arith.index_cast %swap3A_466 : i32 to index
      %swap3A_468 = arith.constant 48 : index
      %swap3A_469 = tpu.vector_load %arg7[%swap3A_467, %swap3A_468] {strides = array<i32>} : memref<8x64xf32, #tpu.memory_space<vmem>>, vector<1x16xf32>,
      %swap3A_470 = vector.shape_cast %swap3A_469 : vector<1x16xf32> to vector<16xf32>
      %swap3A_471 = vector.shape_cast %select_n3A_459 : vector<16xf32> to vector<1x16xf32>
      tpu.vector_store %arg7[%swap3A_467, %swap3A_468], %swap3A_471 {strides = array<i32>} : memref<8x64xf32, #tpu.memory_space<vmem>>, vector<1x16xf32>,
      %swap3A_472 = arith.constant 2 : i32
      %swap3A_473 = arith.index_cast %swap3A_472 : i32 to index
      %swap3A_474 = arith.constant 48 : index
      %swap3A_475 = tpu.vector_load %arg7[%swap3A_473, %swap3A_474] {strides = array<i32>} : memref<8x64xf32, #tpu.memory_space<vmem>>, vector<1x16xf32>,
      %swap3A_476 = vector.shape_cast %swap3A_475 : vector<1x16xf32> to vector<16xf32>
      %swap3A_477 = vector.shape_cast %select_n3A_459 : vector<16xf32> to vector<1x16xf32>
      tpu.vector_store %arg7[%swap3A_473, %swap3A_474], %swap3A_477 {strides = array<i32>} : memref<8x64xf32, #tpu.memory_space<vmem>>, vector<1x16xf32>,
      %swap3A_478 = arith.constant 3 : i32
      %swap3A_479 = arith.index_cast %swap3A_478 : i32 to index
      %swap3A_480 = arith.constant 48 : index
      %swap3A_481 = tpu.vector_load %arg7[%swap3A_479, %swap3A_480] {strides = array<i32>} : memref<8x64xf32, #tpu.memory_space<vmem>>, vector<1x16xf32>,
      %swap3A_482 = vector.shape_cast %swap3A_481 : vector<1x16xf32> to vector<16xf32>
      %swap3A_483 = vector.shape_cast %select_n3A_459 : vector<16xf32> to vector<1x16xf32>
      tpu.vector_store %arg7[%swap3A_479, %swap3A_480], %swap3A_483 {strides = array<i32>} : memref<8x64xf32, #tpu.memory_space<vmem>>, vector<1x16xf32>,
      %swap3A_484 = arith.constant 4 : i32
      %swap3A_485 = arith.index_cast %swap3A_484 : i32 to index
      %swap3A_486 = arith.constant 48 : index
      %swap3A_487 = tpu.vector_load %arg7[%swap3A_485, %swap3A_486] {strides = array<i32>} : memref<8x64xf32, #tpu.memory_space<vmem>>, vector<1x16xf32>,
      %swap3A_488 = vector.shape_cast %swap3A_487 : vector<1x16xf32> to vector<16xf32>
      %swap3A_489 = vector.shape_cast %select_n3A_459 : vector<16xf32> to vector<1x16xf32>
      tpu.vector_store %arg7[%swap3A_485, %swap3A_486], %swap3A_489 {strides = array<i32>} : memref<8x64xf32, #tpu.memory_space<vmem>>, vector<1x16xf32>,
      %swap3A_490 = arith.constant 5 : i32
      %swap3A_491 = arith.index_cast %swap3A_490 : i32 to index
      %swap3A_492 = arith.constant 48 : index
      %swap3A_493 = tpu.vector_load %arg7[%swap3A_491, %swap3A_492] {strides = array<i32>} : memref<8x64xf32, #tpu.memory_space<vmem>>, vector<1x16xf32>,
      %swap3A_494 = vector.shape_cast %swap3A_493 : vector<1x16xf32> to vector<16xf32>
      %swap3A_495 = vector.shape_cast %select_n3A_459 : vector<16xf32> to vector<1x16xf32>
      tpu.vector_store %arg7[%swap3A_491, %swap3A_492], %swap3A_495 {strides = array<i32>} : memref<8x64xf32, #tpu.memory_space<vmem>>, vector<1x16xf32>,
      %swap3A_496 = arith.constant 6 : i32
      %swap3A_497 = arith.index_cast %swap3A_496 : i32 to index
      %swap3A_498 = arith.constant 48 : index
      %swap3A_499 = tpu.vector_load %arg7[%swap3A_497, %swap3A_498] {strides = array<i32>} : memref<8x64xf32, #tpu.memory_space<vmem>>, vector<1x16xf32>,
      %swap3A_500 = vector.shape_cast %swap3A_499 : vector<1x16xf32> to vector<16xf32>
      %swap3A_501 = vector.shape_cast %select_n3A_459 : vector<16xf32> to vector<1x16xf32>
      tpu.vector_store %arg7[%swap3A_497, %swap3A_498], %swap3A_501 {strides = array<i32>} : memref<8x64xf32, #tpu.memory_space<vmem>>, vector<1x16xf32>,
      %swap3A_502 = arith.constant 7 : i32
      %swap3A_503 = arith.index_cast %swap3A_502 : i32 to index
      %swap3A_504 = arith.constant 48 : index
      %swap3A_505 = tpu.vector_load %arg7[%swap3A_503, %swap3A_504] {strides = array<i32>} : memref<8x64xf32, #tpu.memory_space<vmem>>, vector<1x16xf32>,
      %swap3A_506 = vector.shape_cast %swap3A_505 : vector<1x16xf32> to vector<16xf32>
      %swap3A_507 = vector.shape_cast %select_n3A_459 : vector<16xf32> to vector<1x16xf32>
      tpu.vector_store %arg7[%swap3A_503, %swap3A_504], %swap3A_507 {strides = array<i32>} : memref<8x64xf32, #tpu.memory_space<vmem>>, vector<1x16xf32>,
      "tpu.region"() ({
        %run_scoped3A = tpu.sem_alloc : memref<!tpu.dma_semaphore, #tpu.memory_space<semaphore_mem>>
        tpu.enqueue_dma source(%arg7 : memref<8x64xf32, #tpu.memory_space<vmem>>) target(%arg4 : memref<8x64xf32, #tpu.memory_space<hbm>>) target_semaphore(%run_scoped3A : memref<!tpu.dma_semaphore, #tpu.memory_space<semaphore_mem>>)
        tpu.wait_dma2 semaphore(%run_scoped3A : memref<!tpu.dma_semaphore, #tpu.memory_space<semaphore_mem>>) src(%arg7 : memref<8x64xf32, #tpu.memory_space<vmem>>) dst(%arg4 : memref<8x64xf32, #tpu.memory_space<hbm>>)
        tpu.yield
      }) : () -> ()
    } else {
    }
    return
  }
}

module attributes {stable_mosaic.version = 14 : i64} {
  func.func @_lse_kernel(%arg0: i32, %arg1: memref<2xi32, #tpu.memory_space<smem>>, %arg2: memref<8x64xf32, #tpu.memory_space<vmem>>, %arg3: memref<64x32768xf32, #tpu.memory_space<vmem>>, %arg4: memref<1x1xf32, #tpu.memory_space<smem>>, %arg5: memref<4xf32, #tpu.memory_space<smem>>) attributes {dimension_semantics = [#tpu.dimension_semantics<arbitrary>], iteration_bounds = array<i64: 31>, scalar_prefetch = 1 : i64, scratch_operands = 1 : i64, tpu.core_type = #tpu.core_type<tc>, window_params = [{pipeline_mode = #tpu.pipeline_mode<synchronous>, transform_indices = @transform_0, window_bounds = array<i64: 8, 64>}, {transform_indices = @transform_1, window_bounds = array<i64: 64, 32768>}, {transform_indices = @transform_2, window_bounds = array<i64: 1, 1>}]} {
    %eq3A = arith.constant 0 : i32
    %eq3A_0 = arith.cmpi eq, %arg0, %eq3A : i32
    %convert_element_type3A = arith.extui %eq3A_0 : i1 to i32
    %cond3A = arith.constant 0 : i32
    %cond3A_1 = arith.cmpi ne, %convert_element_type3A, %cond3A : i32
    scf.if %cond3A_1 {
      %swap3A_54 = arith.constant 0xFF800000 : f32
      %swap3A_55 = arith.constant 0 : index
      %swap3A_56 = memref.load %arg5[%swap3A_55] : memref<4xf32, #tpu.memory_space<smem>>
      memref.store %swap3A_54, %arg5[%swap3A_55] : memref<4xf32, #tpu.memory_space<smem>>
      %swap3A_57 = arith.constant 0.000000e+00 : f32
      %swap3A_58 = arith.constant 1 : index
      %swap3A_59 = memref.load %arg5[%swap3A_58] : memref<4xf32, #tpu.memory_space<smem>>
      memref.store %swap3A_57, %arg5[%swap3A_58] : memref<4xf32, #tpu.memory_space<smem>>
      %swap3A_60 = arith.constant 0.000000e+00 : f32
      %swap3A_61 = arith.constant 2 : index
      %swap3A_62 = memref.load %arg5[%swap3A_61] : memref<4xf32, #tpu.memory_space<smem>>
      memref.store %swap3A_60, %arg5[%swap3A_61] : memref<4xf32, #tpu.memory_space<smem>>
    } else {
    }
    %get3A = arith.constant 0 : index
    %get3A_2 = arith.constant 0 : index
    %get3A_3 = vector.load %arg2[%get3A, %get3A_2] : memref<8x64xf32, #tpu.memory_space<vmem>>, vector<1x64xf32>
    %get3A_4 = arith.constant 0 : index
    %get3A_5 = arith.constant 0 : index
    %get3A_6 = vector.load %arg3[%get3A_4, %get3A_5] : memref<64x32768xf32, #tpu.memory_space<vmem>>, vector<64x32768xf32>
    %dot_general3A = arith.constant dense<0.000000e+00> : vector<1x32768xf32>
    %dot_general3A_7 = tpu.matmul %get3A_3, %get3A_6, %dot_general3A {dimension_numbers = #tpu.dot_dimension_numbers<[1], [0], [0], [1], [0, 0, 1, 1], [], []>, transpose_lhs_hint = false} : vector<1x64xf32>, vector<64x32768xf32>, vector<1x32768xf32> -> vector<1x32768xf32>
    %mul3A = arith.constant 32768 : i32
    %mul3A_8 = arith.muli %arg0, %mul3A : i32
    %iota3A = tpu.iota {dimensions = array<i32: 1>} : vector<1x32768xi32>
    %add3A = vector.broadcast %mul3A_8 : i32 to vector<1x32768xi32>
    %add3A_9 = arith.addi %add3A, %iota3A : vector<1x32768xi32>
    %lt3A = arith.constant 1000001 : i32
    %lt3A_10 = vector.broadcast %lt3A : i32 to vector<1x32768xi32>
    %lt3A_11 = arith.cmpi slt, %add3A_9, %lt3A_10 : vector<1x32768xi32>
    %jit3A = arith.constant 0xFF800000 : f32
    %broadcast_in_dim3A = vector.broadcast %jit3A : f32 to vector<1x32768xf32>
    %select_n3A = arith.select %lt3A_11, %dot_general3A_7, %broadcast_in_dim3A : vector<1x32768xi1>, vector<1x32768xf32>
    %get3A_12 = arith.constant 2 : index
    %get3A_13 = memref.load %arg5[%get3A_12] : memref<4xf32, #tpu.memory_space<smem>>
    %get3A_14 = arith.constant 1 : index
    %get3A_15 = memref.load %arg1[%get3A_14] : memref<2xi32, #tpu.memory_space<smem>>
    %eq3A_16 = vector.broadcast %get3A_15 : i32 to vector<1x32768xi32>
    %eq3A_17 = arith.cmpi eq, %add3A_9, %eq3A_16 : vector<1x32768xi32>
    %jit3A_18 = arith.constant 0.000000e+00 : f32
    %broadcast_in_dim3A_19 = vector.broadcast %jit3A_18 : f32 to vector<1x32768xf32>
    %select_n3A_20 = arith.select %eq3A_17, %select_n3A, %broadcast_in_dim3A_19 : vector<1x32768xi1>, vector<1x32768xf32>
    %reduce_sum3A = vector.shape_cast %select_n3A_20 : vector<1x32768xf32> to vector<1x1x32768xf32>
    %reduce_sum3A_21 = arith.constant dense<0.000000e+00> : vector<1xf32>
    %reduce_sum3A_22 = vector.multi_reduction <add>, %reduce_sum3A, %reduce_sum3A_21 [1, 2] : vector<1x1x32768xf32> to vector<1xf32>
    %reduce_sum3A_23 = vector.shape_cast %reduce_sum3A_22 : vector<1xf32> to vector<1x1x1xf32>
    %reduce_sum3A_24 = vector.extract %reduce_sum3A_23[0, 0, 0] : f32 from vector<1x1x1xf32>
    %add3A_25 = arith.addf %get3A_13, %reduce_sum3A_24 : f32
    %swap3A = arith.constant 2 : index
    %swap3A_26 = memref.load %arg5[%swap3A] : memref<4xf32, #tpu.memory_space<smem>>
    memref.store %add3A_25, %arg5[%swap3A] : memref<4xf32, #tpu.memory_space<smem>>
    %get3A_27 = arith.constant 0 : index
    %get3A_28 = memref.load %arg5[%get3A_27] : memref<4xf32, #tpu.memory_space<smem>>
    %reduce_max3A = vector.shape_cast %select_n3A : vector<1x32768xf32> to vector<1x1x32768xf32>
    %reduce_max3A_29 = arith.constant dense<0xFF800000> : vector<1xf32>
    %reduce_max3A_30 = vector.multi_reduction <maximumf>, %reduce_max3A, %reduce_max3A_29 [1, 2] : vector<1x1x32768xf32> to vector<1xf32>
    %reduce_max3A_31 = vector.shape_cast %reduce_max3A_30 : vector<1xf32> to vector<1x1x1xf32>
    %reduce_max3A_32 = vector.extract %reduce_max3A_31[0, 0, 0] : f32 from vector<1x1x1xf32>
    %max3A = arith.maximumf %get3A_28, %reduce_max3A_32 : f32
    %sub3A = vector.broadcast %max3A : f32 to vector<1x32768xf32>
    %sub3A_33 = arith.subf %select_n3A, %sub3A : vector<1x32768xf32>
    %exp3A = math.exp %sub3A_33 : vector<1x32768xf32>
    %reduce_sum3A_34 = vector.shape_cast %exp3A : vector<1x32768xf32> to vector<1x1x32768xf32>
    %reduce_sum3A_35 = arith.constant dense<0.000000e+00> : vector<1xf32>
    %reduce_sum3A_36 = vector.multi_reduction <add>, %reduce_sum3A_34, %reduce_sum3A_35 [1, 2] : vector<1x1x32768xf32> to vector<1xf32>
    %reduce_sum3A_37 = vector.shape_cast %reduce_sum3A_36 : vector<1xf32> to vector<1x1x1xf32>
    %reduce_sum3A_38 = vector.extract %reduce_sum3A_37[0, 0, 0] : f32 from vector<1x1x1xf32>
    %get3A_39 = arith.constant 1 : index
    %get3A_40 = memref.load %arg5[%get3A_39] : memref<4xf32, #tpu.memory_space<smem>>
    %sub3A_41 = arith.subf %get3A_28, %max3A : f32
    %exp3A_42 = math.exp %sub3A_41 : f32
    %mul3A_43 = arith.mulf %get3A_40, %exp3A_42 : f32
    %add3A_44 = arith.addf %mul3A_43, %reduce_sum3A_38 : f32
    %swap3A_45 = arith.constant 1 : index
    %swap3A_46 = memref.load %arg5[%swap3A_45] : memref<4xf32, #tpu.memory_space<smem>>
    memref.store %add3A_44, %arg5[%swap3A_45] : memref<4xf32, #tpu.memory_space<smem>>
    %swap3A_47 = arith.constant 0 : index
    %swap3A_48 = memref.load %arg5[%swap3A_47] : memref<4xf32, #tpu.memory_space<smem>>
    memref.store %max3A, %arg5[%swap3A_47] : memref<4xf32, #tpu.memory_space<smem>>
    %eq3A_49 = arith.constant 30 : i32
    %eq3A_50 = arith.cmpi eq, %arg0, %eq3A_49 : i32
    %convert_element_type3A_51 = arith.extui %eq3A_50 : i1 to i32
    %cond3A_52 = arith.constant 0 : i32
    %cond3A_53 = arith.cmpi ne, %convert_element_type3A_51, %cond3A_52 : i32
    scf.if %cond3A_53 {
      %get3A_54 = arith.constant 1 : index
      %get3A_55 = memref.load %arg5[%get3A_54] : memref<4xf32, #tpu.memory_space<smem>>
      %log3A = math.log %get3A_55 : f32
      %get3A_56 = arith.constant 0 : index
      %get3A_57 = memref.load %arg5[%get3A_56] : memref<4xf32, #tpu.memory_space<smem>>
      %add3A_58 = arith.addf %log3A, %get3A_57 : f32
      %get3A_59 = arith.constant 2 : index
      %get3A_60 = memref.load %arg5[%get3A_59] : memref<4xf32, #tpu.memory_space<smem>>
      %sub3A_61 = arith.subf %add3A_58, %get3A_60 : f32
      %swap3A_62 = arith.constant 0 : index
      %swap3A_63 = arith.constant 0 : index
      %swap3A_64 = memref.load %arg4[%swap3A_62, %swap3A_63] : memref<1x1xf32, #tpu.memory_space<smem>>
      memref.store %sub3A_61, %arg4[%swap3A_62, %swap3A_63] : memref<1x1xf32, #tpu.memory_space<smem>>
    } else {
    }
    return
  }
  func.func @transform_0(%arg0: i32, %arg1: memref<2xi32, #tpu.memory_space<smem>>) -> (i32, i32) {
    %c0_i32 = arith.constant 0 : i32
    %c0_i32_0 = arith.constant 0 : i32
    %c0_i32_1 = arith.constant 0 : i32
    return %c0_i32, %c0_i32_0 : i32, i32
  }
  func.func @transform_1(%arg0: i32, %arg1: memref<2xi32, #tpu.memory_space<smem>>) -> (i32, i32) {
    %c0_i32 = arith.constant 0 : i32
    %c0_i32_0 = arith.constant 0 : i32
    return %c0_i32, %arg0 : i32, i32
  }
  func.func @transform_2(%arg0: i32, %arg1: memref<2xi32, #tpu.memory_space<smem>>) -> (i32, i32) {
    %c0_i32 = arith.constant 0 : i32
    %c0_i32_0 = arith.constant 0 : i32
    %c0_i32_1 = arith.constant 0 : i32
    return %c0_i32, %c0_i32_0 : i32, i32
  }
}

</mosaic_0001>

<sc_bundles>
// kernel: _skipgram_loss.4.cloned.1.call-start
scs
__scs_entry_jumppad:
0x0: {  	(pc) =	sbr.rel $0x88, $3  }
0x1: {  	(tag) =	ssettag $0x0;
	lr =	simm.s32 $0x1  }
0x2: {  	[smem:$0x3F9E] =	sst lr;
	_ =	strace $0xD0000000  }
0x3: {  	_ = 	snop  }
0x4: {  	_ = 	snop  }
0x5: {  	_ = 	snop  }
0x6: {  	_ = 	snop  }
0x7: {  	_ = 	snop  }
__scs_overlays_trampoline_lowered:
0x8: {  	[smem:$0x3FAD] =	sst s0  }
0x9: {  	[smem:$0x3FAE] =	sst s1  }
0xa: {  	[smem:$0x3FAF] =	sst s2  }
0xb: {  	[smem:$0x3FB0] =	sst s3  }
0xc: {  	[smem:$0x3FB1] =	sst s4  }
0xd: {  	[smem:$0x3FB2] =	sst s5  }
0xe: {  	[smem:$0x3FB3] =	sst s6  }
0xf: {  	[smem:$0x3FB4] =	sst s7  }
0x10: {  	[smem:$0x3FB5] =	sst s8  }
0x11: {  	[smem:$0x3FB6] =	sst s9;
	s0 =	simm.s32 @!p0 $0x0  }
0x12: {  	s1 =	sld [smem:$0x3F9C];
	s0 =	simm.s32 @p0 $0x1  }
0x13: {  	[smem:$0x3FB7] =	sst s0;
	s0 =	simm.s32 @!p1 $0x0  }
0x14: {  	s2 =	sld [smem:$0x3F9B];
	s0 =	simm.s32 @p1 $0x1  }
0x15: {  	[smem:$0x3FB8] =	sst s0;
	s0 =	simm.s32 @!p2 $0x0  }
0x16: {  	s3 =	sld [smem:$0x3FDB];
	s0 =	simm.s32 @p2 $0x1  }
0x17: {  	s4 =	simm.s32 $0x1BF5;
	[smem:$0x3FBA] =	sst s0  }
0x18: {  	s0 =	sld [smem:$0x3F9D];
	_ =	swait.ge [sflag:s4], $0x0  }
0x19: {  	s7 =	sld [smem:$0x3F9E]  }
0x1a: {  	s8 =	sadd.s32 $0xFFFFE003, lr  }
0x1b: {  	s9 =	sadd.s32 $0xFFFFFEF7, lr;
	s5 =	simm.s32 $0xFFFFFFFF;
	p2 =	slt.u32 s8, $0xFFFFF086  }
0x1c: {  	p1 =	slt.u32 s9, $0xF7A;
	s5 =	simm.s32 @!p2 $0x0  }
0x1d: {  	s5 =	simm.s32 @p1 $0x1;
	p0 =	seq.s32 s7, s2  }
0x1e: {  	s7 =	smul.u32 @!p0 $0xF7A, s2;
	p2 =	seq.s32 @!p0 s5, $0x0  }
0x1f: {  	s9 =	smul.u32 $0xF7A, s1;
	s8 =	simm.s32 @!p0 $0x1BF5;
	p2 =	por !p2, p0  }
0x20: {  	[sflag:s8] =	ssyncset.s32 @!p0 $0xFFFFF086;
	s6 =	sadd.s32 @!p0 s3, s7;
	s7 =	simm.s32 @!p0 $0x108  }
0x21: {  	s3 =	sadd.s32 s3, s9;
	s6 =	sadd.s32 @!p0 $0x88, s6;
	s7 =	simm.s32 @p2 $0x1082  }
0x22: {  	[simem:s7], [sflag:s8] =	dma.local @!p0 [hbm:s6], $0xF7A  }
0x23: {  	s9 =	sor.u32 $0xD0000000, s2;
	s6 =	simm.s32 $0x108;
	_ =	swait.ge @!p0 [sflag:s8], $0x0  }
0x24: {  	s3 =	sadd.s32 $0x88, s3;
	s6 =	simm.s32 @!p1 $0x1082;
	[sflag:s4] =	ssyncset.s32 $0xFFFFF086  }
0x25: {  	[simem:s6], [sflag:s4] =	dma.local [hbm:s3], $0xF7A  }
0x26: {  	[smem:$0x3F9E] =	sst s1;
	(tag) =	ssettag s2;
	_ =	strace s9  }
0x27: {  	s1 =	sld [smem:$0x3FAE]  }
0x28: {  	s2 =	sld [smem:$0x3FAF]  }
0x29: {  	s4 =	sld [smem:$0x3FB1]  }
0x2a: {  	p0 =	seq.s32 s5, $0x0;
	s5 =	sld [smem:$0x3FB2]  }
0x2b: {  	s6 =	sld [smem:$0x3FB3]  }
0x2c: {  	s7 =	sld [smem:$0x3FB4]  }
0x2d: {  	s3 =	simm.s32 $0x108;
	s8 =	sld [smem:$0x3FB5]  }
0x2e: {  	s3 =	simm.s32 @!p0 $0x1082;
	s9 =	sld [smem:$0x3FB6]  }
0x2f: {  	lr =	sadd.s32 s0, s3;
	s0 =	sld [smem:$0x3FAD]  }
0x30: {  	s3 =	sld [smem:$0x3FB0]  }
0x31: {  	[smem:$0x3FB9] =	sst s10  }
0x32: {  	s10 =	sld [smem:$0x3FB7];
	_ =	sdelay $0x3  }
0x33: {  	p0 =	seq.s32 s10, $0x1;
	s10 =	sld [smem:$0x3FB9];
	_ =	sdelay $0x3  }
0x34: {  	[smem:$0x3FB9] =	sst s10  }
0x35: {  	s10 =	sld [smem:$0x3FB8];
	_ =	sdelay $0x3  }
0x36: {  	p1 =	seq.s32 s10, $0x1;
	s10 =	sld [smem:$0x3FB9];
	_ =	sdelay $0x3  }
0x37: {  	[smem:$0x3FB9] =	sst s10  }
0x38: {  	s10 =	sld [smem:$0x3FBA]  }
0x39: {  	_ = 	snop;
	(pc) =	sbr.ind lr, $3  }
0x3a: {  	_ = 	snop  }
0x3b: {  	_ = 	snop  }
0x3c: {  	p2 =	seq.s32 s10, $0x1;
	s10 =	sld [smem:$0x3FB9]  }
0x3d: {  	_ =	shalt  }
0x3e: {  	_ =	shalt  }
0x3f: {  	_ =	shalt  }
0x40: {  	_ =	shalt  }
0x41: {  	_ =	shalt  }
0x42: {  	_ =	shalt  }
0x43: {  	_ =	shalt  }
0x44: {  	_ =	shalt  }
0x45: {  	_ =	shalt  }
0x46: {  	_ =	shalt  }
0x47: {  	_ =	shalt  }
0x48: {  	_ =	shalt  }
0x49: {  	_ =	shalt  }
0x4a: {  	_ =	shalt  }
0x4b: {  	_ =	shalt  }
0x4c: {  	_ =	shalt  }
0x4d: {  	_ =	shalt  }
0x4e: {  	_ =	shalt  }
0x4f: {  	_ =	shalt  }
0x50: {  	_ =	shalt  }
0x51: {  	_ =	shalt  }
0x52: {  	_ =	shalt  }
0x53: {  	_ =	shalt  }
0x54: {  	_ =	shalt  }
0x55: {  	_ =	shalt  }
0x56: {  	_ =	shalt  }
0x57: {  	_ =	shalt  }
0x58: {  	_ =	shalt  }
0x59: {  	_ =	shalt  }
0x5a: {  	_ =	shalt  }
0x5b: {  	_ =	shalt  }
0x5c: {  	_ =	shalt  }
0x5d: {  	_ =	shalt  }
0x5e: {  	_ =	shalt  }
0x5f: {  	_ =	shalt  }
0x60: {  	_ =	shalt  }
0x61: {  	_ =	shalt  }
0x62: {  	_ =	shalt  }
0x63: {  	_ =	shalt  }
0x64: {  	_ =	shalt  }
0x65: {  	_ =	shalt  }
0x66: {  	_ =	shalt  }
0x67: {  	_ =	shalt  }
0x68: {  	_ =	shalt  }
0x69: {  	_ =	shalt  }
0x6a: {  	_ =	shalt  }
0x6b: {  	_ =	shalt  }
0x6c: {  	_ =	shalt  }
0x6d: {  	_ =	shalt  }
0x6e: {  	_ =	shalt  }
0x6f: {  	_ =	shalt  }
0x70: {  	_ =	shalt  }
0x71: {  	_ =	shalt  }
0x72: {  	_ =	shalt  }
0x73: {  	_ =	shalt  }
0x74: {  	_ =	shalt  }
0x75: {  	_ =	shalt  }
0x76: {  	_ =	shalt  }
0x77: {  	_ =	shalt  }
0x78: {  	_ =	shalt  }
0x79: {  	_ =	shalt  }
0x7a: {  	_ =	shalt  }
0x7b: {  	_ =	shalt  }
0x7c: {  	_ =	shalt  }
0x7d: {  	_ =	shalt  }
0x7e: {  	_ =	shalt  }
0x7f: {  	_ =	shalt  }
0x80: {  	_ =	shalt  }
0x81: {  	_ =	shalt  }
0x82: {  	_ =	shalt  }
0x83: {  	_ =	shalt  }
0x84: {  	_ =	shalt  }
0x85: {  	_ =	shalt  }
0x86: {  	_ =	shalt  }
0x87: {  	_ =	shalt  }
.Lfunc_end0:
.L_simem_size_0:
called_computation_lowered:
.L_overlay_start_0:
0x88: {  	s2 =	sld [smem:$0x3FD9]  }
0x89: {  	s3 =	sld [smem:$0x3FFE];
	_ =	sdelay $0x1  }
0x8a: {  	s1 =	srdreg.scid  }
0x8b: {  	s0 =	sand.u32 $0x1, s1  }
0x8c: {  	s17 =	sshll.u32 s0, $0xA;
	s2 =	sadd.s32 s3, s2  }
0x8d: {  	s2 =	sadd.s32 s2, s17  }
0x8e: {  	[smem:$0x3FC5] =	sst s2  }
0x8f: {  	_ = 	snop  }
0x90: {  	s2 =	sld [smem:$0x3FD0];
	(tm) =	ssettm $0x1  }
0x91: {  	s18 =	sld [smem:$0x3FFB];
	_ =	sdelay $0x3  }
0x92: {  	_ =	strace s18  }
0x93: {  	s3 =	sld [smem:$0x3FFC];
	_ =	sdelay $0x3  }
0x94: {  	_ =	strace s3  }
0x95: {  	s3 =	sld [smem:$0x3FFD];
	_ =	sdelay $0x3  }
0x96: {  	_ =	strace s3  }
0x97: {  	_ =	strace $0x8FFFFFFF  }
0x98: {  	s19 =	sld [smem:$0x3FDB];
	_ =	sdelay $0x1  }
0x99: {  	s4 =	simm.s32 $_scs_section_size  }
0x9a: {  	s5 =	simm.s32 $_size__tile_overlayer_lowered;
	s6 =	simm.s32 $_tile_overlayer_lowered  }
0x9b: {  	s22 =	simm.s32 $0x1BFF;
	s21 =	sshll.u32 s6, $0x1;
	s3 =	sadd.s32 s4, s19  }
0x9c: {  	s7 =	simm.s32 $0x0;
	s20 =	sshll.u32 s5, $0x1;
	s5 =	sadd.s32 s21, s3  }
0x9d: {  	[timem:s7], [sflag:s22] =	dma.local [hbm:s5], s20  }
0x9e: {  	_ =	swait.ge [sflag:s22], s20  }
0x9f: {  	s4 =	ssub.s32 $0x0, s20;
	[sflag:s22] =	ssyncset.done $0x0  }
0xa0: {  	[sflag:s22] =	ssyncadd.s32 s4;
	_ =	sdelay $0x1  }
0xa1: {  	s23 =	simm.s32 $0x1B8B  }
0xa2: {  	_ =	swait.ge [sflag:s23], $0x1  }
0xa3: {  	[sflag:s23] =	ssyncset.done $0x0  }
0xa4: {  	s25 =	simm.s32 $0x1B8E;
	s24 =	sld [smem:$0x3FFE];
	[sflag:s23] =	ssyncadd.s32 $0xFFFFFFFF  }
0xa5: {  	s26 =	simm.s32 $execute0_lowered;
	[smem:$0x3FD2] =	sst s25  }
0xa6: {  	s5 =	sshll.u32 s26, $0x1;
	_ =	strace $0x80000046;
	[dreg:$0x1] =	wrdreg $0xFFFFFFFF  }
0xa7: {  	s28 =	simm.s32 $_size_execute0_lowered;
	s3 =	sadd.s32 s3, s5;
	[dreg:$0x0] =	wrdreg $0x0  }
0xa8: {  	s5 =	sshll.u32 s28, $0x1;
	[dreg:$0x2] =	wrdreg s3  }
0xa9: {  	[dreg:$0x3] =	wrdreg s5  }
0xaa: {  	[dreg:$0x4] =	wrdreg $0xC0  }
0xab: {  	_ =	task [dreg:s7], $0x5FFFF  }
0xac: {  	[dreg:$0x1] =	wrdreg $0xFFFFFFFF  }
0xad: {  	[dreg:$0x0] =	wrdreg $0x60  }
0xae: {  	[dreg:$0x2] =	wrdreg s2  }
0xaf: {  	[dreg:$0x3] =	wrdreg s24  }
0xb0: {  	[dreg:$0x4] =	wrdreg $0x9  }
0xb1: {  	_ =	task.clear_ibuf [dreg:s7], $0x5FFFF;
	_ =	strace $0x90000046  }
0xb2: {  	s29 =	simm.s32 $0x9;
	_ =	strace $0x80000048  }
0xb3: {  	_ =	swait.ge [sflag:s29], $0x1  }
0xb4: {  	[sflag:s29] =	ssyncadd.s32 $0xFFFFFFFF  }
0xb5: {  	_ =	strace $0x90000048  }
0xb6: {  	_ =	sfence  }
0xb7: {  	s30 =	sld [smem:$0x0];
	_ =	sdelay $0x2  }
0xb8: {  	s31 =	sshll.u32 s1, $0xD;
	s1 =	sshrl.u32 s1, $0x2  }
0xb9: {  	s3 =	sand.u32 $0x4000, s31;
	s1 =	sadd.s32 s1, s30  }
0xba: {  	s0 =	sor.u32 s3, s0;
	s1 =	sshll.u32 s1, $0x11  }
0xbb: {  	s0 =	sor.u32 s1, s0  }
0xbc: {  	s0 =	sadd.s32 $0x8F2B, s0  }
0xbd: {  	[sflag:s0] =	ssyncadd.remote.s32 $0x1  }
0xbe: {  	_ =	sfence.sel $0xFFFF  }
0xbf: {  	[dreg:$0x0] =	wrdreg $0xFFFFFFFF;
	(pc) =	sbr.abs _section_cstart, $3  }
0xc0: {  	[dreg:$0x1] =	wrdreg $0xFFFFFFFF  }
0xc1: {  	_ =	task.clear_ibuf [dreg:s7], $0x2FFFF;
	_ =	strace $0x9FFFFFFF  }
0xc2: {  	(tm) =	ssettm $0x7FFFFFFF  }
0xc3: {  	_ =	shalt  }
tec
execute0_lowered:
.L_overlay_start_1:
0x0: {  	(tag) =	ssettag $0x1  }
0x1: {  	s0 =	srdreg.scid  }
0x2: {  	s3 =	sand.u32 $0x1, s0;
	s0 =	stileid.u32  }
0x3: {  	s5 =	sor.u32 s0, s3  }
0x4: {  	p0 =	sne.s32 s5, $0x0  }
.Ltmp0:
0x5: {  	_ = 	snop;
	(pc) =	sbr.rel @p0 .LBB2_3-.Ltmp0, $4  }
0x6: {  	_ = 	snop  }
0x7: {  	s2 =	rddreg [dreg:$0x0]  }
0x8: {  	s4 =	rddreg [dreg:$0x1]  }
0x9: {  	s1 =	rddreg [dreg:$0x2];
	_ =	strace $0x80000047  }
0xa: {  	s5 =	ssub.s32 $0x2, s3;
	s3 =	sadd.s32 $0x800, s4;
	s4 =	sadd.s32 $0xA00, s4  }
0xb: {  	s7 =	simm.s32 $0x1;
	s8 =	simm.s32 $0x80;
	s6 =	sshrl.u32 s5, $0x1  }
0xc: {  	s9 =	simm.s32 $0x480;
	s5 =	ssub.s32 s5, s6;
	s6 =	simm.s32 $0x0  }
.LBB2_2:
0xd: {  	[tilespmem:s6], [sflag:$0x1] =	stream.linear.gather [hbm4b:s2+s6], $0x80, $0x38;
	[tilespmem:$0x880] =	vst v63  }
0xe: {  	_ =	swait.ge [sflag:s7], $0x80  }
0xf: {  	[sflag:s7] =	ssyncset.done $0x0  }
0x10: {  	[sflag:s7] =	ssyncadd.s32 $0xFFFFFF80  }
0x11: {  	[tilespmem:s8], [sflag:$0x1] =	stream.linear.gather [hbm4b:s3+s6], $0x400, $0x38;
	[tilespmem:$0x880] =	vst v63  }
0x12: {  	_ =	swait.ge [sflag:s7], $0x400  }
0x13: {  	[sflag:s7] =	ssyncset.done $0x0  }
0x14: {  	[sflag:s7] =	ssyncadd.s32 $0xFFFFFC00  }
0x15: {  	v0 =	vld [tilespmem:$0x0];
	_ =	sdelay $0x1  }
0x16: {  	v1 =	vld [tilespmem:$0x80]  }
0x17: {  	v2 =	vld [tilespmem:$0x100]  }
0x18: {  	v3 =	vld [tilespmem:$0x180]  }
0x19: {  	v4 =	vld [tilespmem:$0x200];
	v0 =	vand.u32 $0x7, v0  }
0x1a: {  	v5 =	vld [tilespmem:$0x280];
	vm0 =	veq.s32 v0, $0x0  }
0x1b: {  	v6 =	vld [tilespmem:$0x300];
	vm1 =	veq.s32 v0, $0x1;
	v1 =	vnsel vm0, $0x0, v1  }
0x1c: {  	v34 =	vld [tilespmem:$0x380];
	vm2 =	veq.s32 v0, $0x2;
	v1 =	vsel vm1, v2, v1  }
0x1d: {  	v35 =	vld [tilespmem:$0x400];
	vm3 =	veq.s32 v0, $0x3;
	v1 =	vsel vm2, v3, v1  }
0x1e: {  	v36 =	vld [tilespmem:$0x90];
	vm4 =	veq.s32 v0, $0x4;
	v1 =	vsel vm3, v4, v1  }
0x1f: {  	v37 =	vld [tilespmem:$0x110];
	vm5 =	veq.s32 v0, $0x5;
	v1 =	vsel vm4, v5, v1  }
0x20: {  	v38 =	vld [tilespmem:$0x190];
	vm6 =	veq.s32 v0, $0x6;
	v1 =	vsel vm5, v6, v1  }
0x21: {  	v39 =	vld [tilespmem:$0x210];
	vm7 =	veq.s32 v0, $0x7;
	v1 =	vsel vm6, v34, v1  }
0x22: {  	v40 =	vld [tilespmem:$0x290];
	v1 =	vsel vm7, v35, v1  }
0x23: {  	v42 =	vld [tilespmem:$0x310];
	v41 =	vnsel vm0, $0x0, v36;
	[tilespmem:$0x480] =	vst v1  }
0x24: {  	v43 =	vld [tilespmem:$0x390];
	v3 =	vsel vm1, v37, v41;
	[tilespmem:$0x500] =	vst v1  }
0x25: {  	v44 =	vld [tilespmem:$0x410];
	v3 =	vsel vm2, v38, v3;
	[tilespmem:$0x580] =	vst v1  }
0x26: {  	v45 =	vld [tilespmem:$0xA0];
	v0 =	vsel vm3, v39, v3;
	[tilespmem:$0x600] =	vst v1  }
0x27: {  	v46 =	vld [tilespmem:$0x120];
	v0 =	vsel vm4, v40, v0;
	[tilespmem:$0x680] =	vst v1  }
0x28: {  	v47 =	vld [tilespmem:$0x1A0];
	v0 =	vsel vm5, v42, v0;
	[tilespmem:$0x700] =	vst v1  }
0x29: {  	v48 =	vld [tilespmem:$0x220];
	v0 =	vsel vm6, v43, v0;
	[tilespmem:$0x780] =	vst v1  }
0x2a: {  	v49 =	vld [tilespmem:$0x2A0];
	[tilespmem:$0x800] =	vst v1;
	v0 =	vsel vm7, v44, v0  }
0x2b: {  	v50 =	vld [tilespmem:$0x320];
	v3 =	vnsel vm0, $0x0, v45;
	[tilespmem:$0x490] =	vst v0  }
0x2c: {  	v51 =	vld [tilespmem:$0x3A0];
	v2 =	vsel vm1, v46, v3;
	[tilespmem:$0x510] =	vst v0  }
0x2d: {  	v52 =	vld [tilespmem:$0x420];
	v2 =	vsel vm2, v47, v2;
	[tilespmem:$0x590] =	vst v0  }
0x2e: {  	v53 =	vld [tilespmem:$0xB0];
	v2 =	vsel vm3, v48, v2;
	[tilespmem:$0x610] =	vst v0  }
0x2f: {  	v54 =	vld [tilespmem:$0x130];
	v1 =	vsel vm4, v49, v2;
	[tilespmem:$0x690] =	vst v0  }
0x30: {  	v55 =	vld [tilespmem:$0x1B0];
	[tilespmem:$0x710] =	vst v0;
	v1 =	vsel vm5, v50, v1  }
0x31: {  	v56 =	vld [tilespmem:$0x230];
	[tilespmem:$0x790] =	vst v0;
	v1 =	vsel vm6, v51, v1  }
0x32: {  	v58 =	vld [tilespmem:$0x2B0];
	[tilespmem:$0x810] =	vst v0;
	v57 =	vsel vm7, v52, v1  }
0x33: {  	v60 =	vld [tilespmem:$0x330];
	v59 =	vnsel vm0, $0x0, v53;
	[tilespmem:$0x4A0] =	vst v57  }
0x34: {  	v61 =	vld [tilespmem:$0x3B0];
	v2 =	vsel vm1, v54, v59;
	[tilespmem:$0x520] =	vst v57  }
0x35: {  	v62 =	vld [tilespmem:$0x430];
	v2 =	vsel vm2, v55, v2;
	[tilespmem:$0x5A0] =	vst v57  }
0x36: {  	v2 =	vsel vm3, v56, v2;
	[tilespmem:$0x620] =	vst v57  }
0x37: {  	v1 =	vsel vm4, v58, v2;
	[tilespmem:$0x6A0] =	vst v57  }
0x38: {  	v1 =	vsel vm5, v60, v1;
	[tilespmem:$0x720] =	vst v57  }
0x39: {  	[tilespmem:$0x7A0] =	vst v57;
	v1 =	vsel vm6, v61, v1  }
0x3a: {  	[tilespmem:$0x820] =	vst v57;
	v63 =	vsel vm7, v62, v1  }
0x3b: {  	[tilespmem:$0x4B0] =	vst v63  }
0x3c: {  	[tilespmem:$0x530] =	vst v63  }
0x3d: {  	[tilespmem:$0x5B0] =	vst v63  }
0x3e: {  	[tilespmem:$0x630] =	vst v63  }
0x3f: {  	[tilespmem:$0x6B0] =	vst v63  }
0x40: {  	[tilespmem:$0x730] =	vst v63  }
0x41: {  	p0 =	sne.s32 s5, $0x1;
	[tilespmem:$0x7B0] =	vst v63  }
.Ltmp1:
0x42: {  	[tilespmem:$0x830] =	vst v63;
	(pc) =	sbr.rel @p0 .LBB2_2-.Ltmp1, $4  }
0x43: {  	[hbm4b:s4+s6] =	stream.linear.scatter [tilespmem:s9], [sflag:$0x1], $0x400, $0x38;
	[tilespmem:$0x880] =	vst v63  }
0x44: {  	_ =	swait.ge [sflag:s7], $0x400  }
0x45: {  	[sflag:s7] =	ssyncset.done $0x0  }
0x46: {  	s5 =	sadd.s32 $0xFFFFFFFF, s5;
	[sflag:s7] =	ssyncadd.s32 $0xFFFFFC00  }
.LBB2_3:
0x47: {  	_ =	sfence.sel $0x180000  }
0x48: {  	[bflag:$0x0] =	sbarrier.arrive $0xFFFF  }
0x49: {  	p0 =	sne.s32 s0, $0x0;
	_ =	strace $0x90000047  }
0x4a: {  	s0 =	sadd.s32 @!p0 $0x100000, s1;
	[bflag:$0x2] =	sbarrier.arrive $0xFFFF  }
0x4b: {  	[sflag:s0] =	ssyncadd.tile.s32 @!p0 $0x1;
	_ =	shalt  }
.Lfunc_end2:
_tile_overlayer_lowered:
.L_overlay_start_2:
0x4c: {  	(tag) =	ssettag $0x2  }
0x4d: {  	s0 =	rddreg [dreg:$0x0];
	s2 =	stileid.u32  }
0x4e: {  	s1 =	rddreg [dreg:$0x1];
	p0 =	sne.s32 s2, $0x0  }
0x4f: {  	s3 =	rddreg [dreg:$0x2];
	[bflag:$0x3] =	sbarrier.arrive $0xFFFF;
	s2 =	simm.s32 @!p0 $0x1C01  }
0x50: {  	[timem:s3], [sflag:s2] =	dma.local @!p0 [hbm:s0], s1  }
0x51: {  	s0 =	simm.s32 @!p0 $0x1  }
0x52: {  	_ =	swait.ge @!p0 [sflag:s0], s1  }
0x53: {  	s1 =	ssub.s32 @!p0 $0x0, s1;
	[sflag:s0] =	ssyncset.done @!p0 $0x0  }
0x54: {  	[sflag:s0] =	ssyncadd.s32 @!p0 s1  }
0x55: {  	[bflag:$0x3] =	sbarrier.arrive $0xFFFF  }
0x56: {  	_ =	shalt  }

</sc_bundles>
